<compile_context>
chip_gen: v7x
topology: tpu7x:2x2x1
jax: 0.10.2.dev20260603
libtpu: 0.0.44.dev20260713+nightly
codegen_flags: <defaults>
</compile_context>

<pallas_src>
import functools

import jax
import jax.numpy as jnp
from jax import lax
from jax.experimental import pallas as pl
from jax.experimental.pallas import tpu as pltpu
from jax.experimental.pallas import tpu_sc as plsc

_L = 16
_R = 246
_D = 373
_NCH = 24

_mesh = plsc.VectorSubcoreMesh(
    core_axis_name="c", subcore_axis_name="s", num_cores=1, num_subcores=1)


def _trunc_i32(y):
    i = y.astype(jnp.int32)
    return jnp.where(i.astype(jnp.float32) > y, i - 1, i)


def _wrap_clamp(i, n):
    i = jnp.where(i < 0, i + n, i)
    return jnp.minimum(jnp.maximum(i, 0), n - 1)


@functools.partial(
    pl.kernel,
    out_type=jax.ShapeDtypeStruct((1,), jnp.float32),
    mesh=_mesh,
    compiler_params=pltpu.CompilerParams(
        needs_layout_passes=False, use_tc_tiling_on_sc=False),
    scratch_types=[
        pltpu.VMEM((381,), jnp.float32),
        pltpu.VMEM((_NCH * _L,), jnp.float32),
        pltpu.VMEM((3 * _L,), jnp.float32),
        pltpu.VMEM((_L,), jnp.float32),
        pltpu.SemaphoreType.DMA,
        pltpu.SemaphoreType.DMA,
        pltpu.SemaphoreType.DMA,
        pltpu.SemaphoreType.DMA,
        pltpu.SemaphoreType.DMA,
        pltpu.SemaphoreType.DMA,
    ],
)
def _predict_sc(x_hbm, aw_hbm, cw_hbm, yw_hbm, mw_hbm, l3_hbm, out_hbm,
                x_v, row_v, tab_v, out_v, s0, s1, s2, s3, s4, s5):
    cp0 = pltpu.async_copy(x_hbm, x_v, s0)
    cp1 = pltpu.async_copy(aw_hbm.at[0], row_v.at[pl.ds(0, _D)], s1)
    cp2 = pltpu.async_copy(cw_hbm.at[0], tab_v.at[pl.ds(0, 4)], s2)
    cp3 = pltpu.async_copy(yw_hbm.at[0], tab_v.at[pl.ds(8, 2)], s3)
    cp4 = pltpu.async_copy(mw_hbm.at[0], tab_v.at[pl.ds(16, 12)], s4)
    cp5 = pltpu.async_copy(l3_hbm.at[0], tab_v.at[pl.ds(32, 3)], s5)
    cp0.wait()

    lane = lax.iota(jnp.int32, _L)
    fidx = jnp.where(lane == 6, 1, jnp.minimum(lane + 375, 380))
    vhi = plsc.load_gather(x_v, [fidx])
    month = _trunc_i32(vhi[0]) - 1
    year = _trunc_i32(vhi[1])
    res_id = _trunc_i32(vhi[2])
    contr = _trunc_i32(vhi[6])
    rr = _wrap_clamp(res_id, _R)

    cp1.wait()

    @pl.when(rr != 0)
    def _():
        pltpu.sync_copy(aw_hbm.at[rr], row_v.at[pl.ds(0, _D)])

    zf16 = jnp.zeros((_L,), jnp.float32)
    acc = zf16
    for i in range(_NCH):
        w = row_v[pl.ds(_L * i, _L)]
        if i < _NCH - 1:
            xv = plsc.load_gather(x_v, [lane + _L * i + 2])
            acc = acc + jnp.exp(w) * xv
        else:
            xv = plsc.load_gather(x_v, [jnp.minimum(lane + _L * i + 2, 380)])
            acc = acc + jnp.where(lane + _L * i < _D, jnp.exp(w) * xv, zf16)
    sum_act = jnp.sum(acc)

    cp2.wait()
    cp3.wait()
    cp4.wait()
    cp5.wait()
    t0 = tab_v[pl.ds(0, _L)]
    t1 = tab_v[pl.ds(_L, _L)]
    t2 = tab_v[pl.ds(2 * _L, _L)]
    sum_month = (
        jnp.maximum(t2[0] * vhi[3], 0.0)
        + jnp.maximum(t2[1] * vhi[4], 0.0)
        + jnp.maximum(t2[2] * vhi[5], 0.0)
    )

    m = _wrap_clamp(month, 12)
    y = 8 + _wrap_clamp(year, 2)
    ci = _wrap_clamp(contr, 4)
    mw = jnp.sum(jnp.where(lane == m, t1, zf16))
    yw = jnp.sum(jnp.where(lane == y, t0, zf16))
    cw = jnp.sum(jnp.where(lane == ci, t0, zf16))
    pred = cw * (yw * (mw * (sum_act + sum_month)))

    out_v[...] = jnp.full((_L,), pred, jnp.float32)
    pltpu.sync_copy(out_v.at[pl.ds(0, 1)], out_hbm)


def kernel(x, activity_w, contractor_w, year_w, month_w, last3_w):
    out1 = _predict_sc(x, activity_w, contractor_w, year_w, month_w, last3_w)
    return jnp.reshape(out1, ())

# --- scband reference (transcript-rebuilt; emitter-appended) ---
"""Pipeline reference for scband-predict-hours-net-3-month-36240934044383 (READ-ONLY COPY).

The authoritative reference and input builder live on the scoring server;
editing this copy changes nothing except your own understanding.
"""

import jax, jax.numpy as jnp
import numpy as np


def _xavier(key, shape):
    fan_out, fan_in = shape
    limit = float(np.sqrt(6.0 / (fan_in + fan_out)))
    return jax.random.uniform(key, shape, jnp.float32, -limit, limit)


def setup_inputs(seed: int = 0) -> dict:
    key = jax.random.key(seed)
    ks = jax.random.split(key, 6)
    x = jax.random.uniform(ks[0], (381,), dtype=jnp.float32)
    activity_w = _xavier(ks[1], (246, 373))
    contractor_w = _xavier(ks[2], (1, 4))
    year_w = _xavier(ks[3], (1, 2))
    month_w = _xavier(ks[4], (1, 12))
    last3_w = _xavier(ks[5], (1, 3))
    return {
        "x": x,
        "activity_w": activity_w,
        "contractor_w": contractor_w,
        "year_w": year_w,
        "month_w": month_w,
        "last3_w": last3_w,
    }


def reference(x, activity_w, contractor_w, year_w, month_w, last3_w):
    month = x[-6].astype(jnp.int32) - 1
    year = x[-5].astype(jnp.int32)
    res_id = x[-4].astype(jnp.int32)
    last_3_month = x[-3:]
    contr_id = x[1].astype(jnp.int32)
    # positive_weights_linear: exp(W[res_id]) @ x[2:-6]
    sum_of_activities = jnp.matmul(jnp.exp(activity_w[res_id]), x[2:-6])
    sum_of_month = jnp.sum(jax.nn.relu(last3_w[0] * last_3_month))
    sum_of_activities_month = month_w[0, month] * (sum_of_activities + sum_of_month)
    sum_of_activities_month_year = year_w[0, year] * sum_of_activities_month
    predict = contractor_w[0, contr_id] * sum_of_activities_month_year
    return predict

if __name__ == "__main__":
    import jax
    _d = setup_inputs()
    print(jax.jit(kernel)(*tuple(_d.values())))

</pallas_src>

<mosaic_0001>
#map = affine_map<(d0, d1) -> (0)>
#map1 = affine_map<(d0, d1) -> (0, 0)>
module attributes {stable_mosaic.version = 14 : i64} {
  func.func @_predict_sc(%arg0: i32, %arg1: i32, %arg2: memref<381xf32, #tpu.memory_space<hbm>>, %arg3: memref<246x373xf32, #tpu.memory_space<hbm>>, %arg4: memref<1x4xf32, #tpu.memory_space<hbm>>, %arg5: memref<1x2xf32, #tpu.memory_space<hbm>>, %arg6: memref<1x12xf32, #tpu.memory_space<hbm>>, %arg7: memref<1x3xf32, #tpu.memory_space<hbm>>, %arg8: memref<1xf32, #tpu.memory_space<hbm>>, %arg9: memref<381xf32, #tpu.memory_space<vmem>>, %arg10: memref<384xf32, #tpu.memory_space<vmem>>, %arg11: memref<48xf32, #tpu.memory_space<vmem>>, %arg12: memref<16xf32, #tpu.memory_space<vmem>>, %arg13: memref<!tpu.dma_semaphore, #tpu.memory_space<semaphore_mem>>, %arg14: memref<!tpu.dma_semaphore, #tpu.memory_space<semaphore_mem>>, %arg15: memref<!tpu.dma_semaphore, #tpu.memory_space<semaphore_mem>>, %arg16: memref<!tpu.dma_semaphore, #tpu.memory_space<semaphore_mem>>, %arg17: memref<!tpu.dma_semaphore, #tpu.memory_space<semaphore_mem>>, %arg18: memref<!tpu.dma_semaphore, #tpu.memory_space<semaphore_mem>>) attributes {dimension_semantics = [#tpu.dimension_semantics<core_parallel>, #tpu.dimension_semantics<subcore_parallel>], iteration_bounds = array<i64: 1, 1>, scalar_prefetch = 0 : i64, scratch_operands = 10 : i64, tpu.core_type = #tpu.core_type<sc_vector_subcore>, window_params = [{transform_indices = #map}, {transform_indices = #map1}, {transform_indices = #map1}, {transform_indices = #map1}, {transform_indices = #map1}, {transform_indices = #map1}, {transform_indices = #map}]} {
    tpu.enqueue_dma source(%arg2 : memref<381xf32, #tpu.memory_space<hbm>>) target(%arg9 : memref<381xf32, #tpu.memory_space<vmem>>) target_semaphore(%arg13 : memref<!tpu.dma_semaphore, #tpu.memory_space<semaphore_mem>>)
    %dma_start3A = arith.constant 0 : i32
    %dma_start3A_0 = arith.constant 0 : i32
    %dma_start3A_1 = tpu.memref_slice %arg10[%dma_start3A_0] : memref<384xf32, #tpu.memory_space<vmem>> -> memref<373xf32, #tpu.memory_space<vmem>>
    %dma_start3A_2 = arith.constant 0 : i32
    %dma_start3A_3 = tpu.memref_slice %arg3[%dma_start3A, %dma_start3A_2] : memref<246x373xf32, #tpu.memory_space<hbm>> -> memref<1x373xf32, #tpu.memory_space<hbm>>
    %dma_start3A_4 = tpu.memref_squeeze %dma_start3A_3 : memref<1x373xf32, #tpu.memory_space<hbm>> -> memref<373xf32, #tpu.memory_space<hbm>>
    %dma_start3A_5 = arith.constant 0 : i32
    %dma_start3A_6 = tpu.memref_slice %arg10[%dma_start3A_5] : memref<384xf32, #tpu.memory_space<vmem>> -> memref<373xf32, #tpu.memory_space<vmem>>
    %dma_start3A_7 = arith.constant 0 : i32
    %dma_start3A_8 = tpu.memref_slice %arg3[%dma_start3A, %dma_start3A_7] : memref<246x373xf32, #tpu.memory_space<hbm>> -> memref<1x373xf32, #tpu.memory_space<hbm>>
    %dma_start3A_9 = tpu.memref_squeeze %dma_start3A_8 : memref<1x373xf32, #tpu.memory_space<hbm>> -> memref<373xf32, #tpu.memory_space<hbm>>
    tpu.enqueue_dma source(%dma_start3A_9 : memref<373xf32, #tpu.memory_space<hbm>>) target(%dma_start3A_6 : memref<373xf32, #tpu.memory_space<vmem>>) target_semaphore(%arg14 : memref<!tpu.dma_semaphore, #tpu.memory_space<semaphore_mem>>)
    %dma_start3A_10 = arith.constant 0 : i32
    %dma_start3A_11 = arith.constant 0 : i32
    %dma_start3A_12 = tpu.memref_slice %arg11[%dma_start3A_11] : memref<48xf32, #tpu.memory_space<vmem>> -> memref<4xf32, #tpu.memory_space<vmem>>
    %dma_start3A_13 = arith.constant 0 : i32
    %dma_start3A_14 = tpu.memref_slice %arg4[%dma_start3A_10, %dma_start3A_13] : memref<1x4xf32, #tpu.memory_space<hbm>> -> memref<1x4xf32, #tpu.memory_space<hbm>>
    %dma_start3A_15 = tpu.memref_squeeze %dma_start3A_14 : memref<1x4xf32, #tpu.memory_space<hbm>> -> memref<4xf32, #tpu.memory_space<hbm>>
    %dma_start3A_16 = arith.constant 0 : i32
    %dma_start3A_17 = tpu.memref_slice %arg11[%dma_start3A_16] : memref<48xf32, #tpu.memory_space<vmem>> -> memref<4xf32, #tpu.memory_space<vmem>>
    %dma_start3A_18 = arith.constant 0 : i32
    %dma_start3A_19 = tpu.memref_slice %arg4[%dma_start3A_10, %dma_start3A_18] : memref<1x4xf32, #tpu.memory_space<hbm>> -> memref<1x4xf32, #tpu.memory_space<hbm>>
    %dma_start3A_20 = tpu.memref_squeeze %dma_start3A_19 : memref<1x4xf32, #tpu.memory_space<hbm>> -> memref<4xf32, #tpu.memory_space<hbm>>
    tpu.enqueue_dma source(%dma_start3A_20 : memref<4xf32, #tpu.memory_space<hbm>>) target(%dma_start3A_17 : memref<4xf32, #tpu.memory_space<vmem>>) target_semaphore(%arg15 : memref<!tpu.dma_semaphore, #tpu.memory_space<semaphore_mem>>)
    %dma_start3A_21 = arith.constant 0 : i32
    %dma_start3A_22 = arith.constant 8 : i32
    %dma_start3A_23 = tpu.memref_slice %arg11[%dma_start3A_22] : memref<48xf32, #tpu.memory_space<vmem>> -> memref<2xf32, #tpu.memory_space<vmem>>
    %dma_start3A_24 = arith.constant 0 : i32
    %dma_start3A_25 = tpu.memref_slice %arg5[%dma_start3A_21, %dma_start3A_24] : memref<1x2xf32, #tpu.memory_space<hbm>> -> memref<1x2xf32, #tpu.memory_space<hbm>>
    %dma_start3A_26 = tpu.memref_squeeze %dma_start3A_25 : memref<1x2xf32, #tpu.memory_space<hbm>> -> memref<2xf32, #tpu.memory_space<hbm>>
    %dma_start3A_27 = arith.constant 8 : i32
    %dma_start3A_28 = tpu.memref_slice %arg11[%dma_start3A_27] : memref<48xf32, #tpu.memory_space<vmem>> -> memref<2xf32, #tpu.memory_space<vmem>>
    %dma_start3A_29 = arith.constant 0 : i32
    %dma_start3A_30 = tpu.memref_slice %arg5[%dma_start3A_21, %dma_start3A_29] : memref<1x2xf32, #tpu.memory_space<hbm>> -> memref<1x2xf32, #tpu.memory_space<hbm>>
    %dma_start3A_31 = tpu.memref_squeeze %dma_start3A_30 : memref<1x2xf32, #tpu.memory_space<hbm>> -> memref<2xf32, #tpu.memory_space<hbm>>
    tpu.enqueue_dma source(%dma_start3A_31 : memref<2xf32, #tpu.memory_space<hbm>>) target(%dma_start3A_28 : memref<2xf32, #tpu.memory_space<vmem>>) target_semaphore(%arg16 : memref<!tpu.dma_semaphore, #tpu.memory_space<semaphore_mem>>)
    %dma_start3A_32 = arith.constant 0 : i32
    %dma_start3A_33 = arith.constant 16 : i32
    %dma_start3A_34 = tpu.memref_slice %arg11[%dma_start3A_33] : memref<48xf32, #tpu.memory_space<vmem>> -> memref<12xf32, #tpu.memory_space<vmem>>
    %dma_start3A_35 = arith.constant 0 : i32
    %dma_start3A_36 = tpu.memref_slice %arg6[%dma_start3A_32, %dma_start3A_35] : memref<1x12xf32, #tpu.memory_space<hbm>> -> memref<1x12xf32, #tpu.memory_space<hbm>>
    %dma_start3A_37 = tpu.memref_squeeze %dma_start3A_36 : memref<1x12xf32, #tpu.memory_space<hbm>> -> memref<12xf32, #tpu.memory_space<hbm>>
    %dma_start3A_38 = arith.constant 16 : i32
    %dma_start3A_39 = tpu.memref_slice %arg11[%dma_start3A_38] : memref<48xf32, #tpu.memory_space<vmem>> -> memref<12xf32, #tpu.memory_space<vmem>>
    %dma_start3A_40 = arith.constant 0 : i32
    %dma_start3A_41 = tpu.memref_slice %arg6[%dma_start3A_32, %dma_start3A_40] : memref<1x12xf32, #tpu.memory_space<hbm>> -> memref<1x12xf32, #tpu.memory_space<hbm>>
    %dma_start3A_42 = tpu.memref_squeeze %dma_start3A_41 : memref<1x12xf32, #tpu.memory_space<hbm>> -> memref<12xf32, #tpu.memory_space<hbm>>
    tpu.enqueue_dma source(%dma_start3A_42 : memref<12xf32, #tpu.memory_space<hbm>>) target(%dma_start3A_39 : memref<12xf32, #tpu.memory_space<vmem>>) target_semaphore(%arg17 : memref<!tpu.dma_semaphore, #tpu.memory_space<semaphore_mem>>)
    %dma_start3A_43 = arith.constant 0 : i32
    %dma_start3A_44 = arith.constant 32 : i32
    %dma_start3A_45 = tpu.memref_slice %arg11[%dma_start3A_44] : memref<48xf32, #tpu.memory_space<vmem>> -> memref<3xf32, #tpu.memory_space<vmem>>
    %dma_start3A_46 = arith.constant 0 : i32
    %dma_start3A_47 = tpu.memref_slice %arg7[%dma_start3A_43, %dma_start3A_46] : memref<1x3xf32, #tpu.memory_space<hbm>> -> memref<1x3xf32, #tpu.memory_space<hbm>>
    %dma_start3A_48 = tpu.memref_squeeze %dma_start3A_47 : memref<1x3xf32, #tpu.memory_space<hbm>> -> memref<3xf32, #tpu.memory_space<hbm>>
    %dma_start3A_49 = arith.constant 32 : i32
    %dma_start3A_50 = tpu.memref_slice %arg11[%dma_start3A_49] : memref<48xf32, #tpu.memory_space<vmem>> -> memref<3xf32, #tpu.memory_space<vmem>>
    %dma_start3A_51 = arith.constant 0 : i32
    %dma_start3A_52 = tpu.memref_slice %arg7[%dma_start3A_43, %dma_start3A_51] : memref<1x3xf32, #tpu.memory_space<hbm>> -> memref<1x3xf32, #tpu.memory_space<hbm>>
    %dma_start3A_53 = tpu.memref_squeeze %dma_start3A_52 : memref<1x3xf32, #tpu.memory_space<hbm>> -> memref<3xf32, #tpu.memory_space<hbm>>
    tpu.enqueue_dma source(%dma_start3A_53 : memref<3xf32, #tpu.memory_space<hbm>>) target(%dma_start3A_50 : memref<3xf32, #tpu.memory_space<vmem>>) target_semaphore(%arg18 : memref<!tpu.dma_semaphore, #tpu.memory_space<semaphore_mem>>)
    tpu.wait_dma2 semaphore(%arg13 : memref<!tpu.dma_semaphore, #tpu.memory_space<semaphore_mem>>) src(%arg2 : memref<381xf32, #tpu.memory_space<hbm>>) dst(%arg9 : memref<381xf32, #tpu.memory_space<vmem>>)
    %iota3A = tpu.iota {dimensions = array<i32: 0>} : vector<16xi32>
    %eq3A = arith.constant 6 : i32
    %eq3A_54 = vector.broadcast %eq3A : i32 to vector<16xi32>
    %eq3A_55 = arith.cmpi eq, %iota3A, %eq3A_54 : vector<16xi32>
    %add3A = arith.constant 375 : i32
    %add3A_56 = vector.broadcast %add3A : i32 to vector<16xi32>
    %add3A_57 = arith.addi %iota3A, %add3A_56 : vector<16xi32>
    %min3A = arith.constant 380 : i32
    %min3A_58 = vector.broadcast %min3A : i32 to vector<16xi32>
    %min3A_59 = arith.minsi %add3A_57, %min3A_58 : vector<16xi32>
    %jit3A = arith.constant 1 : i32
    %broadcast_in_dim3A = vector.broadcast %jit3A : i32 to vector<16xi32>
    %select_n3A = arith.select %eq3A_55, %broadcast_in_dim3A, %min3A_59 : vector<16xi1>, vector<16xi32>
    %gather3A = tpu.vector_load_idx %arg9[%select_n3A] : memref<381xf32, #tpu.memory_space<vmem>>[vector<16xi32>], vector<16xf32>,
    %slice3A = vector.extract_strided_slice %gather3A {offsets = [0], sizes = [1], strides = [1]} : vector<16xf32> to vector<1xf32>
    %squeeze3A = vector.extract %slice3A[0] : f32 from vector<1xf32>
    %convert_element_type3A = arith.fptosi %squeeze3A : f32 to i32
    %convert_element_type3A_60 = arith.sitofp %convert_element_type3A : i32 to f32
    %gt3A = arith.cmpf ogt, %convert_element_type3A_60, %squeeze3A : f32
    %sub3A = arith.constant 1 : i32
    %sub3A_61 = arith.subi %convert_element_type3A, %sub3A : i32
    %select_n3A_62 = arith.select %gt3A, %sub3A_61, %convert_element_type3A : i32
    %sub3A_63 = arith.constant 1 : i32
    %sub3A_64 = arith.subi %select_n3A_62, %sub3A_63 : i32
    %slice3A_65 = vector.extract_strided_slice %gather3A {offsets = [1], sizes = [1], strides = [1]} : vector<16xf32> to vector<1xf32>
    %squeeze3A_66 = vector.extract %slice3A_65[0] : f32 from vector<1xf32>
    %convert_element_type3A_67 = arith.fptosi %squeeze3A_66 : f32 to i32
    %convert_element_type3A_68 = arith.sitofp %convert_element_type3A_67 : i32 to f32
    %gt3A_69 = arith.cmpf ogt, %convert_element_type3A_68, %squeeze3A_66 : f32
    %sub3A_70 = arith.constant 1 : i32
    %sub3A_71 = arith.subi %convert_element_type3A_67, %sub3A_70 : i32
    %select_n3A_72 = arith.select %gt3A_69, %sub3A_71, %convert_element_type3A_67 : i32
    %slice3A_73 = vector.extract_strided_slice %gather3A {offsets = [2], sizes = [1], strides = [1]} : vector<16xf32> to vector<1xf32>
    %squeeze3A_74 = vector.extract %slice3A_73[0] : f32 from vector<1xf32>
    %convert_element_type3A_75 = arith.fptosi %squeeze3A_74 : f32 to i32
    %convert_element_type3A_76 = arith.sitofp %convert_element_type3A_75 : i32 to f32
    %gt3A_77 = arith.cmpf ogt, %convert_element_type3A_76, %squeeze3A_74 : f32
    %sub3A_78 = arith.constant 1 : i32
    %sub3A_79 = arith.subi %convert_element_type3A_75, %sub3A_78 : i32
    %select_n3A_80 = arith.select %gt3A_77, %sub3A_79, %convert_element_type3A_75 : i32
    %slice3A_81 = vector.extract_strided_slice %gather3A {offsets = [6], sizes = [1], strides = [1]} : vector<16xf32> to vector<1xf32>
    %squeeze3A_82 = vector.extract %slice3A_81[0] : f32 from vector<1xf32>
    %convert_element_type3A_83 = arith.fptosi %squeeze3A_82 : f32 to i32
    %convert_element_type3A_84 = arith.sitofp %convert_element_type3A_83 : i32 to f32
    %gt3A_85 = arith.cmpf ogt, %convert_element_type3A_84, %squeeze3A_82 : f32
    %sub3A_86 = arith.constant 1 : i32
    %sub3A_87 = arith.subi %convert_element_type3A_83, %sub3A_86 : i32
    %select_n3A_88 = arith.select %gt3A_85, %sub3A_87, %convert_element_type3A_83 : i32
    %lt3A = arith.constant 0 : i32
    %lt3A_89 = arith.cmpi slt, %select_n3A_80, %lt3A : i32
    %add3A_90 = arith.constant 246 : i32
    %add3A_91 = arith.addi %select_n3A_80, %add3A_90 : i32
    %select_n3A_92 = arith.select %lt3A_89, %add3A_91, %select_n3A_80 : i32
    %max3A = arith.constant 0 : i32
    %max3A_93 = arith.maxsi %select_n3A_92, %max3A : i32
    %min3A_94 = arith.constant 245 : i32
    %min3A_95 = arith.minsi %max3A_93, %min3A_94 : i32
    %dma_wait3A = arith.constant 0 : i32
    %dma_wait3A_96 = arith.constant 0 : i32
    %dma_wait3A_97 = tpu.memref_slice %arg10[%dma_wait3A_96] : memref<384xf32, #tpu.memory_space<vmem>> -> memref<373xf32, #tpu.memory_space<vmem>>
    %dma_wait3A_98 = arith.constant 0 : i32
    %dma_wait3A_99 = tpu.memref_slice %arg3[%dma_wait3A, %dma_wait3A_98] : memref<246x373xf32, #tpu.memory_space<hbm>> -> memref<1x373xf32, #tpu.memory_space<hbm>>
    %dma_wait3A_100 = tpu.memref_squeeze %dma_wait3A_99 : memref<1x373xf32, #tpu.memory_space<hbm>> -> memref<373xf32, #tpu.memory_space<hbm>>
    %dma_wait3A_101 = arith.constant 0 : i32
    %dma_wait3A_102 = tpu.memref_slice %arg10[%dma_wait3A_101] : memref<384xf32, #tpu.memory_space<vmem>> -> memref<373xf32, #tpu.memory_space<vmem>>
    %dma_wait3A_103 = arith.constant 0 : i32
    %dma_wait3A_104 = tpu.memref_slice %arg3[%dma_wait3A, %dma_wait3A_103] : memref<246x373xf32, #tpu.memory_space<hbm>> -> memref<1x373xf32, #tpu.memory_space<hbm>>
    %dma_wait3A_105 = tpu.memref_squeeze %dma_wait3A_104 : memref<1x373xf32, #tpu.memory_space<hbm>> -> memref<373xf32, #tpu.memory_space<hbm>>
    tpu.wait_dma2 semaphore(%arg14 : memref<!tpu.dma_semaphore, #tpu.memory_space<semaphore_mem>>) src(%dma_wait3A_105 : memref<373xf32, #tpu.memory_space<hbm>>) dst(%dma_wait3A_102 : memref<373xf32, #tpu.memory_space<vmem>>)
    %ne3A = arith.constant 0 : i32
    %ne3A_106 = arith.cmpi ne, %min3A_95, %ne3A : i32
    %convert_element_type3A_107 = arith.extui %ne3A_106 : i1 to i32
    %cond3A = arith.constant 0 : i32
    %cond3A_108 = arith.cmpi ne, %convert_element_type3A_107, %cond3A : i32
    scf.if %cond3A_108 {
      "tpu.region"() ({
        %run_scoped3A = tpu.sem_alloc : memref<!tpu.dma_semaphore, #tpu.memory_space<semaphore_mem>>
        %dma_start3A_538 = arith.constant 0 : i32
        %dma_start3A_539 = tpu.memref_slice %arg10[%dma_start3A_538] : memref<384xf32, #tpu.memory_space<vmem>> -> memref<373xf32, #tpu.memory_space<vmem>>
        %dma_start3A_540 = arith.constant 0 : i32
        %dma_start3A_541 = tpu.memref_slice %arg3[%min3A_95, %dma_start3A_540] : memref<246x373xf32, #tpu.memory_space<hbm>> -> memref<1x373xf32, #tpu.memory_space<hbm>>
        %dma_start3A_542 = tpu.memref_squeeze %dma_start3A_541 : memref<1x373xf32, #tpu.memory_space<hbm>> -> memref<373xf32, #tpu.memory_space<hbm>>
        %dma_start3A_543 = arith.constant 0 : i32
        %dma_start3A_544 = tpu.memref_slice %arg10[%dma_start3A_543] : memref<384xf32, #tpu.memory_space<vmem>> -> memref<373xf32, #tpu.memory_space<vmem>>
        %dma_start3A_545 = arith.constant 0 : i32
        %dma_start3A_546 = tpu.memref_slice %arg3[%min3A_95, %dma_start3A_545] : memref<246x373xf32, #tpu.memory_space<hbm>> -> memref<1x373xf32, #tpu.memory_space<hbm>>
        %dma_start3A_547 = tpu.memref_squeeze %dma_start3A_546 : memref<1x373xf32, #tpu.memory_space<hbm>> -> memref<373xf32, #tpu.memory_space<hbm>>
        tpu.enqueue_dma source(%dma_start3A_547 : memref<373xf32, #tpu.memory_space<hbm>>) target(%dma_start3A_544 : memref<373xf32, #tpu.memory_space<vmem>>) target_semaphore(%run_scoped3A : memref<!tpu.dma_semaphore, #tpu.memory_space<semaphore_mem>>)
        %dma_wait3A_548 = arith.constant 0 : i32
        %dma_wait3A_549 = tpu.memref_slice %arg10[%dma_wait3A_548] : memref<384xf32, #tpu.memory_space<vmem>> -> memref<373xf32, #tpu.memory_space<vmem>>
        %dma_wait3A_550 = arith.constant 0 : i32
        %dma_wait3A_551 = tpu.memref_slice %arg3[%min3A_95, %dma_wait3A_550] : memref<246x373xf32, #tpu.memory_space<hbm>> -> memref<1x373xf32, #tpu.memory_space<hbm>>
        %dma_wait3A_552 = tpu.memref_squeeze %dma_wait3A_551 : memref<1x373xf32, #tpu.memory_space<hbm>> -> memref<373xf32, #tpu.memory_space<hbm>>
        %dma_wait3A_553 = arith.constant 0 : i32
        %dma_wait3A_554 = tpu.memref_slice %arg10[%dma_wait3A_553] : memref<384xf32, #tpu.memory_space<vmem>> -> memref<373xf32, #tpu.memory_space<vmem>>
        %dma_wait3A_555 = arith.constant 0 : i32
        %dma_wait3A_556 = tpu.memref_slice %arg3[%min3A_95, %dma_wait3A_555] : memref<246x373xf32, #tpu.memory_space<hbm>> -> memref<1x373xf32, #tpu.memory_space<hbm>>
        %dma_wait3A_557 = tpu.memref_squeeze %dma_wait3A_556 : memref<1x373xf32, #tpu.memory_space<hbm>> -> memref<373xf32, #tpu.memory_space<hbm>>
        tpu.wait_dma2 semaphore(%run_scoped3A : memref<!tpu.dma_semaphore, #tpu.memory_space<semaphore_mem>>) src(%dma_wait3A_557 : memref<373xf32, #tpu.memory_space<hbm>>) dst(%dma_wait3A_554 : memref<373xf32, #tpu.memory_space<vmem>>)
        tpu.yield
      }) : () -> ()
    } else {
    }
    %broadcast_in_dim3A_109 = arith.constant 0.000000e+00 : f32
    %broadcast_in_dim3A_110 = vector.broadcast %broadcast_in_dim3A_109 : f32 to vector<16xf32>
    %get3A = arith.constant 0 : index
    %get3A_111 = tpu.vector_load %arg10[%get3A] {strides = array<i32>} : memref<384xf32, #tpu.memory_space<vmem>>, vector<16xf32>,
    %add3A_112 = arith.constant 0 : i32
    %add3A_113 = vector.broadcast %add3A_112 : i32 to vector<16xi32>
    %add3A_114 = arith.addi %iota3A, %add3A_113 : vector<16xi32>
    %add3A_115 = arith.constant 2 : i32
    %add3A_116 = vector.broadcast %add3A_115 : i32 to vector<16xi32>
    %add3A_117 = arith.addi %add3A_114, %add3A_116 : vector<16xi32>
    %gather3A_118 = tpu.vector_load_idx %arg9[%add3A_117] : memref<381xf32, #tpu.memory_space<vmem>>[vector<16xi32>], vector<16xf32>,
    %exp3A = math.exp %get3A_111 : vector<16xf32>
    %mul3A = arith.mulf %exp3A, %gather3A_118 : vector<16xf32>
    %add3A_119 = arith.addf %broadcast_in_dim3A_110, %mul3A : vector<16xf32>
    %get3A_120 = arith.constant 16 : index
    %get3A_121 = tpu.vector_load %arg10[%get3A_120] {strides = array<i32>} : memref<384xf32, #tpu.memory_space<vmem>>, vector<16xf32>,
    %add3A_122 = arith.constant 16 : i32
    %add3A_123 = vector.broadcast %add3A_122 : i32 to vector<16xi32>
    %add3A_124 = arith.addi %iota3A, %add3A_123 : vector<16xi32>
    %add3A_125 = arith.constant 2 : i32
    %add3A_126 = vector.broadcast %add3A_125 : i32 to vector<16xi32>
    %add3A_127 = arith.addi %add3A_124, %add3A_126 : vector<16xi32>
    %gather3A_128 = tpu.vector_load_idx %arg9[%add3A_127] : memref<381xf32, #tpu.memory_space<vmem>>[vector<16xi32>], vector<16xf32>,
    %exp3A_129 = math.exp %get3A_121 : vector<16xf32>
    %mul3A_130 = arith.mulf %exp3A_129, %gather3A_128 : vector<16xf32>
    %add3A_131 = arith.addf %add3A_119, %mul3A_130 : vector<16xf32>
    %get3A_132 = arith.constant 32 : index
    %get3A_133 = tpu.vector_load %arg10[%get3A_132] {strides = array<i32>} : memref<384xf32, #tpu.memory_space<vmem>>, vector<16xf32>,
    %add3A_134 = arith.constant 32 : i32
    %add3A_135 = vector.broadcast %add3A_134 : i32 to vector<16xi32>
    %add3A_136 = arith.addi %iota3A, %add3A_135 : vector<16xi32>
    %add3A_137 = arith.constant 2 : i32
    %add3A_138 = vector.broadcast %add3A_137 : i32 to vector<16xi32>
    %add3A_139 = arith.addi %add3A_136, %add3A_138 : vector<16xi32>
    %gather3A_140 = tpu.vector_load_idx %arg9[%add3A_139] : memref<381xf32, #tpu.memory_space<vmem>>[vector<16xi32>], vector<16xf32>,
    %exp3A_141 = math.exp %get3A_133 : vector<16xf32>
    %mul3A_142 = arith.mulf %exp3A_141, %gather3A_140 : vector<16xf32>
    %add3A_143 = arith.addf %add3A_131, %mul3A_142 : vector<16xf32>
    %get3A_144 = arith.constant 48 : index
    %get3A_145 = tpu.vector_load %arg10[%get3A_144] {strides = array<i32>} : memref<384xf32, #tpu.memory_space<vmem>>, vector<16xf32>,
    %add3A_146 = arith.constant 48 : i32
    %add3A_147 = vector.broadcast %add3A_146 : i32 to vector<16xi32>
    %add3A_148 = arith.addi %iota3A, %add3A_147 : vector<16xi32>
    %add3A_149 = arith.constant 2 : i32
    %add3A_150 = vector.broadcast %add3A_149 : i32 to vector<16xi32>
    %add3A_151 = arith.addi %add3A_148, %add3A_150 : vector<16xi32>
    %gather3A_152 = tpu.vector_load_idx %arg9[%add3A_151] : memref<381xf32, #tpu.memory_space<vmem>>[vector<16xi32>], vector<16xf32>,
    %exp3A_153 = math.exp %get3A_145 : vector<16xf32>
    %mul3A_154 = arith.mulf %exp3A_153, %gather3A_152 : vector<16xf32>
    %add3A_155 = arith.addf %add3A_143, %mul3A_154 : vector<16xf32>
    %get3A_156 = arith.constant 64 : index
    %get3A_157 = tpu.vector_load %arg10[%get3A_156] {strides = array<i32>} : memref<384xf32, #tpu.memory_space<vmem>>, vector<16xf32>,
    %add3A_158 = arith.constant 64 : i32
    %add3A_159 = vector.broadcast %add3A_158 : i32 to vector<16xi32>
    %add3A_160 = arith.addi %iota3A, %add3A_159 : vector<16xi32>
    %add3A_161 = arith.constant 2 : i32
    %add3A_162 = vector.broadcast %add3A_161 : i32 to vector<16xi32>
    %add3A_163 = arith.addi %add3A_160, %add3A_162 : vector<16xi32>
    %gather3A_164 = tpu.vector_load_idx %arg9[%add3A_163] : memref<381xf32, #tpu.memory_space<vmem>>[vector<16xi32>], vector<16xf32>,
    %exp3A_165 = math.exp %get3A_157 : vector<16xf32>
    %mul3A_166 = arith.mulf %exp3A_165, %gather3A_164 : vector<16xf32>
    %add3A_167 = arith.addf %add3A_155, %mul3A_166 : vector<16xf32>
    %get3A_168 = arith.constant 80 : index
    %get3A_169 = tpu.vector_load %arg10[%get3A_168] {strides = array<i32>} : memref<384xf32, #tpu.memory_space<vmem>>, vector<16xf32>,
    %add3A_170 = arith.constant 80 : i32
    %add3A_171 = vector.broadcast %add3A_170 : i32 to vector<16xi32>
    %add3A_172 = arith.addi %iota3A, %add3A_171 : vector<16xi32>
    %add3A_173 = arith.constant 2 : i32
    %add3A_174 = vector.broadcast %add3A_173 : i32 to vector<16xi32>
    %add3A_175 = arith.addi %add3A_172, %add3A_174 : vector<16xi32>
    %gather3A_176 = tpu.vector_load_idx %arg9[%add3A_175] : memref<381xf32, #tpu.memory_space<vmem>>[vector<16xi32>], vector<16xf32>,
    %exp3A_177 = math.exp %get3A_169 : vector<16xf32>
    %mul3A_178 = arith.mulf %exp3A_177, %gather3A_176 : vector<16xf32>
    %add3A_179 = arith.addf %add3A_167, %mul3A_178 : vector<16xf32>
    %get3A_180 = arith.constant 96 : index
    %get3A_181 = tpu.vector_load %arg10[%get3A_180] {strides = array<i32>} : memref<384xf32, #tpu.memory_space<vmem>>, vector<16xf32>,
    %add3A_182 = arith.constant 96 : i32
    %add3A_183 = vector.broadcast %add3A_182 : i32 to vector<16xi32>
    %add3A_184 = arith.addi %iota3A, %add3A_183 : vector<16xi32>
    %add3A_185 = arith.constant 2 : i32
    %add3A_186 = vector.broadcast %add3A_185 : i32 to vector<16xi32>
    %add3A_187 = arith.addi %add3A_184, %add3A_186 : vector<16xi32>
    %gather3A_188 = tpu.vector_load_idx %arg9[%add3A_187] : memref<381xf32, #tpu.memory_space<vmem>>[vector<16xi32>], vector<16xf32>,
    %exp3A_189 = math.exp %get3A_181 : vector<16xf32>
    %mul3A_190 = arith.mulf %exp3A_189, %gather3A_188 : vector<16xf32>
    %add3A_191 = arith.addf %add3A_179, %mul3A_190 : vector<16xf32>
    %get3A_192 = arith.constant 112 : index
    %get3A_193 = tpu.vector_load %arg10[%get3A_192] {strides = array<i32>} : memref<384xf32, #tpu.memory_space<vmem>>, vector<16xf32>,
    %add3A_194 = arith.constant 112 : i32
    %add3A_195 = vector.broadcast %add3A_194 : i32 to vector<16xi32>
    %add3A_196 = arith.addi %iota3A, %add3A_195 : vector<16xi32>
    %add3A_197 = arith.constant 2 : i32
    %add3A_198 = vector.broadcast %add3A_197 : i32 to vector<16xi32>
    %add3A_199 = arith.addi %add3A_196, %add3A_198 : vector<16xi32>
    %gather3A_200 = tpu.vector_load_idx %arg9[%add3A_199] : memref<381xf32, #tpu.memory_space<vmem>>[vector<16xi32>], vector<16xf32>,
    %exp3A_201 = math.exp %get3A_193 : vector<16xf32>
    %mul3A_202 = arith.mulf %exp3A_201, %gather3A_200 : vector<16xf32>
    %add3A_203 = arith.addf %add3A_191, %mul3A_202 : vector<16xf32>
    %get3A_204 = arith.constant 128 : index
    %get3A_205 = tpu.vector_load %arg10[%get3A_204] {strides = array<i32>} : memref<384xf32, #tpu.memory_space<vmem>>, vector<16xf32>,
    %add3A_206 = arith.constant 128 : i32
    %add3A_207 = vector.broadcast %add3A_206 : i32 to vector<16xi32>
    %add3A_208 = arith.addi %iota3A, %add3A_207 : vector<16xi32>
    %add3A_209 = arith.constant 2 : i32
    %add3A_210 = vector.broadcast %add3A_209 : i32 to vector<16xi32>
    %add3A_211 = arith.addi %add3A_208, %add3A_210 : vector<16xi32>
    %gather3A_212 = tpu.vector_load_idx %arg9[%add3A_211] : memref<381xf32, #tpu.memory_space<vmem>>[vector<16xi32>], vector<16xf32>,
    %exp3A_213 = math.exp %get3A_205 : vector<16xf32>
    %mul3A_214 = arith.mulf %exp3A_213, %gather3A_212 : vector<16xf32>
    %add3A_215 = arith.addf %add3A_203, %mul3A_214 : vector<16xf32>
    %get3A_216 = arith.constant 144 : index
    %get3A_217 = tpu.vector_load %arg10[%get3A_216] {strides = array<i32>} : memref<384xf32, #tpu.memory_space<vmem>>, vector<16xf32>,
    %add3A_218 = arith.constant 144 : i32
    %add3A_219 = vector.broadcast %add3A_218 : i32 to vector<16xi32>
    %add3A_220 = arith.addi %iota3A, %add3A_219 : vector<16xi32>
    %add3A_221 = arith.constant 2 : i32
    %add3A_222 = vector.broadcast %add3A_221 : i32 to vector<16xi32>
    %add3A_223 = arith.addi %add3A_220, %add3A_222 : vector<16xi32>
    %gather3A_224 = tpu.vector_load_idx %arg9[%add3A_223] : memref<381xf32, #tpu.memory_space<vmem>>[vector<16xi32>], vector<16xf32>,
    %exp3A_225 = math.exp %get3A_217 : vector<16xf32>
    %mul3A_226 = arith.mulf %exp3A_225, %gather3A_224 : vector<16xf32>
    %add3A_227 = arith.addf %add3A_215, %mul3A_226 : vector<16xf32>
    %get3A_228 = arith.constant 160 : index
    %get3A_229 = tpu.vector_load %arg10[%get3A_228] {strides = array<i32>} : memref<384xf32, #tpu.memory_space<vmem>>, vector<16xf32>,
    %add3A_230 = arith.constant 160 : i32
    %add3A_231 = vector.broadcast %add3A_230 : i32 to vector<16xi32>
    %add3A_232 = arith.addi %iota3A, %add3A_231 : vector<16xi32>
    %add3A_233 = arith.constant 2 : i32
    %add3A_234 = vector.broadcast %add3A_233 : i32 to vector<16xi32>
    %add3A_235 = arith.addi %add3A_232, %add3A_234 : vector<16xi32>
    %gather3A_236 = tpu.vector_load_idx %arg9[%add3A_235] : memref<381xf32, #tpu.memory_space<vmem>>[vector<16xi32>], vector<16xf32>,
    %exp3A_237 = math.exp %get3A_229 : vector<16xf32>
    %mul3A_238 = arith.mulf %exp3A_237, %gather3A_236 : vector<16xf32>
    %add3A_239 = arith.addf %add3A_227, %mul3A_238 : vector<16xf32>
    %get3A_240 = arith.constant 176 : index
    %get3A_241 = tpu.vector_load %arg10[%get3A_240] {strides = array<i32>} : memref<384xf32, #tpu.memory_space<vmem>>, vector<16xf32>,
    %add3A_242 = arith.constant 176 : i32
    %add3A_243 = vector.broadcast %add3A_242 : i32 to vector<16xi32>
    %add3A_244 = arith.addi %iota3A, %add3A_243 : vector<16xi32>
    %add3A_245 = arith.constant 2 : i32
    %add3A_246 = vector.broadcast %add3A_245 : i32 to vector<16xi32>
    %add3A_247 = arith.addi %add3A_244, %add3A_246 : vector<16xi32>
    %gather3A_248 = tpu.vector_load_idx %arg9[%add3A_247] : memref<381xf32, #tpu.memory_space<vmem>>[vector<16xi32>], vector<16xf32>,
    %exp3A_249 = math.exp %get3A_241 : vector<16xf32>
    %mul3A_250 = arith.mulf %exp3A_249, %gather3A_248 : vector<16xf32>
    %add3A_251 = arith.addf %add3A_239, %mul3A_250 : vector<16xf32>
    %get3A_252 = arith.constant 192 : index
    %get3A_253 = tpu.vector_load %arg10[%get3A_252] {strides = array<i32>} : memref<384xf32, #tpu.memory_space<vmem>>, vector<16xf32>,
    %add3A_254 = arith.constant 192 : i32
    %add3A_255 = vector.broadcast %add3A_254 : i32 to vector<16xi32>
    %add3A_256 = arith.addi %iota3A, %add3A_255 : vector<16xi32>
    %add3A_257 = arith.constant 2 : i32
    %add3A_258 = vector.broadcast %add3A_257 : i32 to vector<16xi32>
    %add3A_259 = arith.addi %add3A_256, %add3A_258 : vector<16xi32>
    %gather3A_260 = tpu.vector_load_idx %arg9[%add3A_259] : memref<381xf32, #tpu.memory_space<vmem>>[vector<16xi32>], vector<16xf32>,
    %exp3A_261 = math.exp %get3A_253 : vector<16xf32>
    %mul3A_262 = arith.mulf %exp3A_261, %gather3A_260 : vector<16xf32>
    %add3A_263 = arith.addf %add3A_251, %mul3A_262 : vector<16xf32>
    %get3A_264 = arith.constant 208 : index
    %get3A_265 = tpu.vector_load %arg10[%get3A_264] {strides = array<i32>} : memref<384xf32, #tpu.memory_space<vmem>>, vector<16xf32>,
    %add3A_266 = arith.constant 208 : i32
    %add3A_267 = vector.broadcast %add3A_266 : i32 to vector<16xi32>
    %add3A_268 = arith.addi %iota3A, %add3A_267 : vector<16xi32>
    %add3A_269 = arith.constant 2 : i32
    %add3A_270 = vector.broadcast %add3A_269 : i32 to vector<16xi32>
    %add3A_271 = arith.addi %add3A_268, %add3A_270 : vector<16xi32>
    %gather3A_272 = tpu.vector_load_idx %arg9[%add3A_271] : memref<381xf32, #tpu.memory_space<vmem>>[vector<16xi32>], vector<16xf32>,
    %exp3A_273 = math.exp %get3A_265 : vector<16xf32>
    %mul3A_274 = arith.mulf %exp3A_273, %gather3A_272 : vector<16xf32>
    %add3A_275 = arith.addf %add3A_263, %mul3A_274 : vector<16xf32>
    %get3A_276 = arith.constant 224 : index
    %get3A_277 = tpu.vector_load %arg10[%get3A_276] {strides = array<i32>} : memref<384xf32, #tpu.memory_space<vmem>>, vector<16xf32>,
    %add3A_278 = arith.constant 224 : i32
    %add3A_279 = vector.broadcast %add3A_278 : i32 to vector<16xi32>
    %add3A_280 = arith.addi %iota3A, %add3A_279 : vector<16xi32>
    %add3A_281 = arith.constant 2 : i32
    %add3A_282 = vector.broadcast %add3A_281 : i32 to vector<16xi32>
    %add3A_283 = arith.addi %add3A_280, %add3A_282 : vector<16xi32>
    %gather3A_284 = tpu.vector_load_idx %arg9[%add3A_283] : memref<381xf32, #tpu.memory_space<vmem>>[vector<16xi32>], vector<16xf32>,
    %exp3A_285 = math.exp %get3A_277 : vector<16xf32>
    %mul3A_286 = arith.mulf %exp3A_285, %gather3A_284 : vector<16xf32>
    %add3A_287 = arith.addf %add3A_275, %mul3A_286 : vector<16xf32>
    %get3A_288 = arith.constant 240 : index
    %get3A_289 = tpu.vector_load %arg10[%get3A_288] {strides = array<i32>} : memref<384xf32, #tpu.memory_space<vmem>>, vector<16xf32>,
    %add3A_290 = arith.constant 240 : i32
    %add3A_291 = vector.broadcast %add3A_290 : i32 to vector<16xi32>
    %add3A_292 = arith.addi %iota3A, %add3A_291 : vector<16xi32>
    %add3A_293 = arith.constant 2 : i32
    %add3A_294 = vector.broadcast %add3A_293 : i32 to vector<16xi32>
    %add3A_295 = arith.addi %add3A_292, %add3A_294 : vector<16xi32>
    %gather3A_296 = tpu.vector_load_idx %arg9[%add3A_295] : memref<381xf32, #tpu.memory_space<vmem>>[vector<16xi32>], vector<16xf32>,
    %exp3A_297 = math.exp %get3A_289 : vector<16xf32>
    %mul3A_298 = arith.mulf %exp3A_297, %gather3A_296 : vector<16xf32>
    %add3A_299 = arith.addf %add3A_287, %mul3A_298 : vector<16xf32>
    %get3A_300 = arith.constant 256 : index
    %get3A_301 = tpu.vector_load %arg10[%get3A_300] {strides = array<i32>} : memref<384xf32, #tpu.memory_space<vmem>>, vector<16xf32>,
    %add3A_302 = arith.constant 256 : i32
    %add3A_303 = vector.broadcast %add3A_302 : i32 to vector<16xi32>
    %add3A_304 = arith.addi %iota3A, %add3A_303 : vector<16xi32>
    %add3A_305 = arith.constant 2 : i32
    %add3A_306 = vector.broadcast %add3A_305 : i32 to vector<16xi32>
    %add3A_307 = arith.addi %add3A_304, %add3A_306 : vector<16xi32>
    %gather3A_308 = tpu.vector_load_idx %arg9[%add3A_307] : memref<381xf32, #tpu.memory_space<vmem>>[vector<16xi32>], vector<16xf32>,
    %exp3A_309 = math.exp %get3A_301 : vector<16xf32>
    %mul3A_310 = arith.mulf %exp3A_309, %gather3A_308 : vector<16xf32>
    %add3A_311 = arith.addf %add3A_299, %mul3A_310 : vector<16xf32>
    %get3A_312 = arith.constant 272 : index
    %get3A_313 = tpu.vector_load %arg10[%get3A_312] {strides = array<i32>} : memref<384xf32, #tpu.memory_space<vmem>>, vector<16xf32>,
    %add3A_314 = arith.constant 272 : i32
    %add3A_315 = vector.broadcast %add3A_314 : i32 to vector<16xi32>
    %add3A_316 = arith.addi %iota3A, %add3A_315 : vector<16xi32>
    %add3A_317 = arith.constant 2 : i32
    %add3A_318 = vector.broadcast %add3A_317 : i32 to vector<16xi32>
    %add3A_319 = arith.addi %add3A_316, %add3A_318 : vector<16xi32>
    %gather3A_320 = tpu.vector_load_idx %arg9[%add3A_319] : memref<381xf32, #tpu.memory_space<vmem>>[vector<16xi32>], vector<16xf32>,
    %exp3A_321 = math.exp %get3A_313 : vector<16xf32>
    %mul3A_322 = arith.mulf %exp3A_321, %gather3A_320 : vector<16xf32>
    %add3A_323 = arith.addf %add3A_311, %mul3A_322 : vector<16xf32>
    %get3A_324 = arith.constant 288 : index
    %get3A_325 = tpu.vector_load %arg10[%get3A_324] {strides = array<i32>} : memref<384xf32, #tpu.memory_space<vmem>>, vector<16xf32>,
    %add3A_326 = arith.constant 288 : i32
    %add3A_327 = vector.broadcast %add3A_326 : i32 to vector<16xi32>
    %add3A_328 = arith.addi %iota3A, %add3A_327 : vector<16xi32>
    %add3A_329 = arith.constant 2 : i32
    %add3A_330 = vector.broadcast %add3A_329 : i32 to vector<16xi32>
    %add3A_331 = arith.addi %add3A_328, %add3A_330 : vector<16xi32>
    %gather3A_332 = tpu.vector_load_idx %arg9[%add3A_331] : memref<381xf32, #tpu.memory_space<vmem>>[vector<16xi32>], vector<16xf32>,
    %exp3A_333 = math.exp %get3A_325 : vector<16xf32>
    %mul3A_334 = arith.mulf %exp3A_333, %gather3A_332 : vector<16xf32>
    %add3A_335 = arith.addf %add3A_323, %mul3A_334 : vector<16xf32>
    %get3A_336 = arith.constant 304 : index
    %get3A_337 = tpu.vector_load %arg10[%get3A_336] {strides = array<i32>} : memref<384xf32, #tpu.memory_space<vmem>>, vector<16xf32>,
    %add3A_338 = arith.constant 304 : i32
    %add3A_339 = vector.broadcast %add3A_338 : i32 to vector<16xi32>
    %add3A_340 = arith.addi %iota3A, %add3A_339 : vector<16xi32>
    %add3A_341 = arith.constant 2 : i32
    %add3A_342 = vector.broadcast %add3A_341 : i32 to vector<16xi32>
    %add3A_343 = arith.addi %add3A_340, %add3A_342 : vector<16xi32>
    %gather3A_344 = tpu.vector_load_idx %arg9[%add3A_343] : memref<381xf32, #tpu.memory_space<vmem>>[vector<16xi32>], vector<16xf32>,
    %exp3A_345 = math.exp %get3A_337 : vector<16xf32>
    %mul3A_346 = arith.mulf %exp3A_345, %gather3A_344 : vector<16xf32>
    %add3A_347 = arith.addf %add3A_335, %mul3A_346 : vector<16xf32>
    %get3A_348 = arith.constant 320 : index
    %get3A_349 = tpu.vector_load %arg10[%get3A_348] {strides = array<i32>} : memref<384xf32, #tpu.memory_space<vmem>>, vector<16xf32>,
    %add3A_350 = arith.constant 320 : i32
    %add3A_351 = vector.broadcast %add3A_350 : i32 to vector<16xi32>
    %add3A_352 = arith.addi %iota3A, %add3A_351 : vector<16xi32>
    %add3A_353 = arith.constant 2 : i32
    %add3A_354 = vector.broadcast %add3A_353 : i32 to vector<16xi32>
    %add3A_355 = arith.addi %add3A_352, %add3A_354 : vector<16xi32>
    %gather3A_356 = tpu.vector_load_idx %arg9[%add3A_355] : memref<381xf32, #tpu.memory_space<vmem>>[vector<16xi32>], vector<16xf32>,
    %exp3A_357 = math.exp %get3A_349 : vector<16xf32>
    %mul3A_358 = arith.mulf %exp3A_357, %gather3A_356 : vector<16xf32>
    %add3A_359 = arith.addf %add3A_347, %mul3A_358 : vector<16xf32>
    %get3A_360 = arith.constant 336 : index
    %get3A_361 = tpu.vector_load %arg10[%get3A_360] {strides = array<i32>} : memref<384xf32, #tpu.memory_space<vmem>>, vector<16xf32>,
    %add3A_362 = arith.constant 336 : i32
    %add3A_363 = vector.broadcast %add3A_362 : i32 to vector<16xi32>
    %add3A_364 = arith.addi %iota3A, %add3A_363 : vector<16xi32>
    %add3A_365 = arith.constant 2 : i32
    %add3A_366 = vector.broadcast %add3A_365 : i32 to vector<16xi32>
    %add3A_367 = arith.addi %add3A_364, %add3A_366 : vector<16xi32>
    %gather3A_368 = tpu.vector_load_idx %arg9[%add3A_367] : memref<381xf32, #tpu.memory_space<vmem>>[vector<16xi32>], vector<16xf32>,
    %exp3A_369 = math.exp %get3A_361 : vector<16xf32>
    %mul3A_370 = arith.mulf %exp3A_369, %gather3A_368 : vector<16xf32>
    %add3A_371 = arith.addf %add3A_359, %mul3A_370 : vector<16xf32>
    %get3A_372 = arith.constant 352 : index
    %get3A_373 = tpu.vector_load %arg10[%get3A_372] {strides = array<i32>} : memref<384xf32, #tpu.memory_space<vmem>>, vector<16xf32>,
    %add3A_374 = arith.constant 352 : i32
    %add3A_375 = vector.broadcast %add3A_374 : i32 to vector<16xi32>
    %add3A_376 = arith.addi %iota3A, %add3A_375 : vector<16xi32>
    %add3A_377 = arith.constant 2 : i32
    %add3A_378 = vector.broadcast %add3A_377 : i32 to vector<16xi32>
    %add3A_379 = arith.addi %add3A_376, %add3A_378 : vector<16xi32>
    %gather3A_380 = tpu.vector_load_idx %arg9[%add3A_379] : memref<381xf32, #tpu.memory_space<vmem>>[vector<16xi32>], vector<16xf32>,
    %exp3A_381 = math.exp %get3A_373 : vector<16xf32>
    %mul3A_382 = arith.mulf %exp3A_381, %gather3A_380 : vector<16xf32>
    %add3A_383 = arith.addf %add3A_371, %mul3A_382 : vector<16xf32>
    %get3A_384 = arith.constant 368 : index
    %get3A_385 = tpu.vector_load %arg10[%get3A_384] {strides = array<i32>} : memref<384xf32, #tpu.memory_space<vmem>>, vector<16xf32>,
    %add3A_386 = arith.constant 368 : i32
    %add3A_387 = vector.broadcast %add3A_386 : i32 to vector<16xi32>
    %add3A_388 = arith.addi %iota3A, %add3A_387 : vector<16xi32>
    %add3A_389 = arith.constant 2 : i32
    %add3A_390 = vector.broadcast %add3A_389 : i32 to vector<16xi32>
    %add3A_391 = arith.addi %add3A_388, %add3A_390 : vector<16xi32>
    %min3A_392 = arith.constant 380 : i32
    %min3A_393 = vector.broadcast %min3A_392 : i32 to vector<16xi32>
    %min3A_394 = arith.minsi %add3A_391, %min3A_393 : vector<16xi32>
    %gather3A_395 = tpu.vector_load_idx %arg9[%min3A_394] : memref<381xf32, #tpu.memory_space<vmem>>[vector<16xi32>], vector<16xf32>,
    %add3A_396 = arith.constant 368 : i32
    %add3A_397 = vector.broadcast %add3A_396 : i32 to vector<16xi32>
    %add3A_398 = arith.addi %iota3A, %add3A_397 : vector<16xi32>
    %lt3A_399 = arith.constant 373 : i32
    %lt3A_400 = vector.broadcast %lt3A_399 : i32 to vector<16xi32>
    %lt3A_401 = arith.cmpi slt, %add3A_398, %lt3A_400 : vector<16xi32>
    %exp3A_402 = math.exp %get3A_385 : vector<16xf32>
    %mul3A_403 = arith.mulf %exp3A_402, %gather3A_395 : vector<16xf32>
    %select_n3A_404 = arith.select %lt3A_401, %mul3A_403, %broadcast_in_dim3A_110 : vector<16xi1>, vector<16xf32>
    %add3A_405 = arith.addf %add3A_383, %select_n3A_404 : vector<16xf32>
    %reduce_sum3A = arith.constant true
    %reduce_sum3A_406 = vector.broadcast %reduce_sum3A : i1 to vector<16xi1>
    %reduce_sum3A_407 = tpu.scan <sum>, %add3A_405 masked %reduce_sum3A_406 : vector<16xf32>, vector<16xi1> -> vector<16xf32>
    %reduce_sum3A_408 = vector.extract %reduce_sum3A_407[15] : f32 from vector<16xf32>
    %dma_wait3A_409 = arith.constant 0 : i32
    %dma_wait3A_410 = arith.constant 0 : i32
    %dma_wait3A_411 = tpu.memref_slice %arg11[%dma_wait3A_410] : memref<48xf32, #tpu.memory_space<vmem>> -> memref<4xf32, #tpu.memory_space<vmem>>
    %dma_wait3A_412 = arith.constant 0 : i32
    %dma_wait3A_413 = tpu.memref_slice %arg4[%dma_wait3A_409, %dma_wait3A_412] : memref<1x4xf32, #tpu.memory_space<hbm>> -> memref<1x4xf32, #tpu.memory_space<hbm>>
    %dma_wait3A_414 = tpu.memref_squeeze %dma_wait3A_413 : memref<1x4xf32, #tpu.memory_space<hbm>> -> memref<4xf32, #tpu.memory_space<hbm>>
    %dma_wait3A_415 = arith.constant 0 : i32
    %dma_wait3A_416 = tpu.memref_slice %arg11[%dma_wait3A_415] : memref<48xf32, #tpu.memory_space<vmem>> -> memref<4xf32, #tpu.memory_space<vmem>>
    %dma_wait3A_417 = arith.constant 0 : i32
    %dma_wait3A_418 = tpu.memref_slice %arg4[%dma_wait3A_409, %dma_wait3A_417] : memref<1x4xf32, #tpu.memory_space<hbm>> -> memref<1x4xf32, #tpu.memory_space<hbm>>
    %dma_wait3A_419 = tpu.memref_squeeze %dma_wait3A_418 : memref<1x4xf32, #tpu.memory_space<hbm>> -> memref<4xf32, #tpu.memory_space<hbm>>
    tpu.wait_dma2 semaphore(%arg15 : memref<!tpu.dma_semaphore, #tpu.memory_space<semaphore_mem>>) src(%dma_wait3A_419 : memref<4xf32, #tpu.memory_space<hbm>>) dst(%dma_wait3A_416 : memref<4xf32, #tpu.memory_space<vmem>>)
    %dma_wait3A_420 = arith.constant 0 : i32
    %dma_wait3A_421 = arith.constant 8 : i32
    %dma_wait3A_422 = tpu.memref_slice %arg11[%dma_wait3A_421] : memref<48xf32, #tpu.memory_space<vmem>> -> memref<2xf32, #tpu.memory_space<vmem>>
    %dma_wait3A_423 = arith.constant 0 : i32
    %dma_wait3A_424 = tpu.memref_slice %arg5[%dma_wait3A_420, %dma_wait3A_423] : memref<1x2xf32, #tpu.memory_space<hbm>> -> memref<1x2xf32, #tpu.memory_space<hbm>>
    %dma_wait3A_425 = tpu.memref_squeeze %dma_wait3A_424 : memref<1x2xf32, #tpu.memory_space<hbm>> -> memref<2xf32, #tpu.memory_space<hbm>>
    %dma_wait3A_426 = arith.constant 8 : i32
    %dma_wait3A_427 = tpu.memref_slice %arg11[%dma_wait3A_426] : memref<48xf32, #tpu.memory_space<vmem>> -> memref<2xf32, #tpu.memory_space<vmem>>
    %dma_wait3A_428 = arith.constant 0 : i32
    %dma_wait3A_429 = tpu.memref_slice %arg5[%dma_wait3A_420, %dma_wait3A_428] : memref<1x2xf32, #tpu.memory_space<hbm>> -> memref<1x2xf32, #tpu.memory_space<hbm>>
    %dma_wait3A_430 = tpu.memref_squeeze %dma_wait3A_429 : memref<1x2xf32, #tpu.memory_space<hbm>> -> memref<2xf32, #tpu.memory_space<hbm>>
    tpu.wait_dma2 semaphore(%arg16 : memref<!tpu.dma_semaphore, #tpu.memory_space<semaphore_mem>>) src(%dma_wait3A_430 : memref<2xf32, #tpu.memory_space<hbm>>) dst(%dma_wait3A_427 : memref<2xf32, #tpu.memory_space<vmem>>)
    %dma_wait3A_431 = arith.constant 0 : i32
    %dma_wait3A_432 = arith.constant 16 : i32
    %dma_wait3A_433 = tpu.memref_slice %arg11[%dma_wait3A_432] : memref<48xf32, #tpu.memory_space<vmem>> -> memref<12xf32, #tpu.memory_space<vmem>>
    %dma_wait3A_434 = arith.constant 0 : i32
    %dma_wait3A_435 = tpu.memref_slice %arg6[%dma_wait3A_431, %dma_wait3A_434] : memref<1x12xf32, #tpu.memory_space<hbm>> -> memref<1x12xf32, #tpu.memory_space<hbm>>
    %dma_wait3A_436 = tpu.memref_squeeze %dma_wait3A_435 : memref<1x12xf32, #tpu.memory_space<hbm>> -> memref<12xf32, #tpu.memory_space<hbm>>
    %dma_wait3A_437 = arith.constant 16 : i32
    %dma_wait3A_438 = tpu.memref_slice %arg11[%dma_wait3A_437] : memref<48xf32, #tpu.memory_space<vmem>> -> memref<12xf32, #tpu.memory_space<vmem>>
    %dma_wait3A_439 = arith.constant 0 : i32
    %dma_wait3A_440 = tpu.memref_slice %arg6[%dma_wait3A_431, %dma_wait3A_439] : memref<1x12xf32, #tpu.memory_space<hbm>> -> memref<1x12xf32, #tpu.memory_space<hbm>>
    %dma_wait3A_441 = tpu.memref_squeeze %dma_wait3A_440 : memref<1x12xf32, #tpu.memory_space<hbm>> -> memref<12xf32, #tpu.memory_space<hbm>>
    tpu.wait_dma2 semaphore(%arg17 : memref<!tpu.dma_semaphore, #tpu.memory_space<semaphore_mem>>) src(%dma_wait3A_441 : memref<12xf32, #tpu.memory_space<hbm>>) dst(%dma_wait3A_438 : memref<12xf32, #tpu.memory_space<vmem>>)
    %dma_wait3A_442 = arith.constant 0 : i32
    %dma_wait3A_443 = arith.constant 32 : i32
    %dma_wait3A_444 = tpu.memref_slice %arg11[%dma_wait3A_443] : memref<48xf32, #tpu.memory_space<vmem>> -> memref<3xf32, #tpu.memory_space<vmem>>
    %dma_wait3A_445 = arith.constant 0 : i32
    %dma_wait3A_446 = tpu.memref_slice %arg7[%dma_wait3A_442, %dma_wait3A_445] : memref<1x3xf32, #tpu.memory_space<hbm>> -> memref<1x3xf32, #tpu.memory_space<hbm>>
    %dma_wait3A_447 = tpu.memref_squeeze %dma_wait3A_446 : memref<1x3xf32, #tpu.memory_space<hbm>> -> memref<3xf32, #tpu.memory_space<hbm>>
    %dma_wait3A_448 = arith.constant 32 : i32
    %dma_wait3A_449 = tpu.memref_slice %arg11[%dma_wait3A_448] : memref<48xf32, #tpu.memory_space<vmem>> -> memref<3xf32, #tpu.memory_space<vmem>>
    %dma_wait3A_450 = arith.constant 0 : i32
    %dma_wait3A_451 = tpu.memref_slice %arg7[%dma_wait3A_442, %dma_wait3A_450] : memref<1x3xf32, #tpu.memory_space<hbm>> -> memref<1x3xf32, #tpu.memory_space<hbm>>
    %dma_wait3A_452 = tpu.memref_squeeze %dma_wait3A_451 : memref<1x3xf32, #tpu.memory_space<hbm>> -> memref<3xf32, #tpu.memory_space<hbm>>
    tpu.wait_dma2 semaphore(%arg18 : memref<!tpu.dma_semaphore, #tpu.memory_space<semaphore_mem>>) src(%dma_wait3A_452 : memref<3xf32, #tpu.memory_space<hbm>>) dst(%dma_wait3A_449 : memref<3xf32, #tpu.memory_space<vmem>>)
    %get3A_453 = arith.constant 0 : index
    %get3A_454 = tpu.vector_load %arg11[%get3A_453] {strides = array<i32>} : memref<48xf32, #tpu.memory_space<vmem>>, vector<16xf32>,
    %get3A_455 = arith.constant 16 : index
    %get3A_456 = tpu.vector_load %arg11[%get3A_455] {strides = array<i32>} : memref<48xf32, #tpu.memory_space<vmem>>, vector<16xf32>,
    %get3A_457 = arith.constant 32 : index
    %get3A_458 = tpu.vector_load %arg11[%get3A_457] {strides = array<i32>} : memref<48xf32, #tpu.memory_space<vmem>>, vector<16xf32>,
    %slice3A_459 = vector.extract_strided_slice %get3A_458 {offsets = [0], sizes = [1], strides = [1]} : vector<16xf32> to vector<1xf32>
    %squeeze3A_460 = vector.extract %slice3A_459[0] : f32 from vector<1xf32>
    %slice3A_461 = vector.extract_strided_slice %gather3A {offsets = [3], sizes = [1], strides = [1]} : vector<16xf32> to vector<1xf32>
    %squeeze3A_462 = vector.extract %slice3A_461[0] : f32 from vector<1xf32>
    %mul3A_463 = arith.mulf %squeeze3A_460, %squeeze3A_462 : f32
    %max3A_464 = arith.constant 0.000000e+00 : f32
    %max3A_465 = arith.maximumf %mul3A_463, %max3A_464 : f32
    %slice3A_466 = vector.extract_strided_slice %get3A_458 {offsets = [1], sizes = [1], strides = [1]} : vector<16xf32> to vector<1xf32>
    %squeeze3A_467 = vector.extract %slice3A_466[0] : f32 from vector<1xf32>
    %slice3A_468 = vector.extract_strided_slice %gather3A {offsets = [4], sizes = [1], strides = [1]} : vector<16xf32> to vector<1xf32>
    %squeeze3A_469 = vector.extract %slice3A_468[0] : f32 from vector<1xf32>
    %mul3A_470 = arith.mulf %squeeze3A_467, %squeeze3A_469 : f32
    %max3A_471 = arith.constant 0.000000e+00 : f32
    %max3A_472 = arith.maximumf %mul3A_470, %max3A_471 : f32
    %add3A_473 = arith.addf %max3A_465, %max3A_472 : f32
    %slice3A_474 = vector.extract_strided_slice %get3A_458 {offsets = [2], sizes = [1], strides = [1]} : vector<16xf32> to vector<1xf32>
    %squeeze3A_475 = vector.extract %slice3A_474[0] : f32 from vector<1xf32>
    %slice3A_476 = vector.extract_strided_slice %gather3A {offsets = [5], sizes = [1], strides = [1]} : vector<16xf32> to vector<1xf32>
    %squeeze3A_477 = vector.extract %slice3A_476[0] : f32 from vector<1xf32>
    %mul3A_478 = arith.mulf %squeeze3A_475, %squeeze3A_477 : f32
    %max3A_479 = arith.constant 0.000000e+00 : f32
    %max3A_480 = arith.maximumf %mul3A_478, %max3A_479 : f32
    %add3A_481 = arith.addf %add3A_473, %max3A_480 : f32
    %lt3A_482 = arith.constant 0 : i32
    %lt3A_483 = arith.cmpi slt, %sub3A_64, %lt3A_482 : i32
    %add3A_484 = arith.constant 12 : i32
    %add3A_485 = arith.addi %sub3A_64, %add3A_484 : i32
    %select_n3A_486 = arith.select %lt3A_483, %add3A_485, %sub3A_64 : i32
    %max3A_487 = arith.constant 0 : i32
    %max3A_488 = arith.maxsi %select_n3A_486, %max3A_487 : i32
    %min3A_489 = arith.constant 11 : i32
    %min3A_490 = arith.minsi %max3A_488, %min3A_489 : i32
    %lt3A_491 = arith.constant 0 : i32
    %lt3A_492 = arith.cmpi slt, %select_n3A_72, %lt3A_491 : i32
    %add3A_493 = arith.constant 2 : i32
    %add3A_494 = arith.addi %select_n3A_72, %add3A_493 : i32
    %select_n3A_495 = arith.select %lt3A_492, %add3A_494, %select_n3A_72 : i32
    %max3A_496 = arith.constant 0 : i32
    %max3A_497 = arith.maxsi %select_n3A_495, %max3A_496 : i32
    %min3A_498 = arith.constant 1 : i32
    %min3A_499 = arith.minsi %max3A_497, %min3A_498 : i32
    %add3A_500 = arith.constant 8 : i32
    %add3A_501 = arith.addi %add3A_500, %min3A_499 : i32
    %lt3A_502 = arith.constant 0 : i32
    %lt3A_503 = arith.cmpi slt, %select_n3A_88, %lt3A_502 : i32
    %add3A_504 = arith.constant 4 : i32
    %add3A_505 = arith.addi %select_n3A_88, %add3A_504 : i32
    %select_n3A_506 = arith.select %lt3A_503, %add3A_505, %select_n3A_88 : i32
    %max3A_507 = arith.constant 0 : i32
    %max3A_508 = arith.maxsi %select_n3A_506, %max3A_507 : i32
    %min3A_509 = arith.constant 3 : i32
    %min3A_510 = arith.minsi %max3A_508, %min3A_509 : i32
    %eq3A_511 = vector.broadcast %min3A_490 : i32 to vector<16xi32>
    %eq3A_512 = arith.cmpi eq, %iota3A, %eq3A_511 : vector<16xi32>
    %select_n3A_513 = arith.select %eq3A_512, %get3A_456, %broadcast_in_dim3A_110 : vector<16xi1>, vector<16xf32>
    %reduce_sum3A_514 = arith.constant true
    %reduce_sum3A_515 = vector.broadcast %reduce_sum3A_514 : i1 to vector<16xi1>
    %reduce_sum3A_516 = tpu.scan <sum>, %select_n3A_513 masked %reduce_sum3A_515 : vector<16xf32>, vector<16xi1> -> vector<16xf32>
    %reduce_sum3A_517 = vector.extract %reduce_sum3A_516[15] : f32 from vector<16xf32>
    %eq3A_518 = vector.broadcast %add3A_501 : i32 to vector<16xi32>
    %eq3A_519 = arith.cmpi eq, %iota3A, %eq3A_518 : vector<16xi32>
    %select_n3A_520 = arith.select %eq3A_519, %get3A_454, %broadcast_in_dim3A_110 : vector<16xi1>, vector<16xf32>
    %reduce_sum3A_521 = arith.constant true
    %reduce_sum3A_522 = vector.broadcast %reduce_sum3A_521 : i1 to vector<16xi1>
    %reduce_sum3A_523 = tpu.scan <sum>, %select_n3A_520 masked %reduce_sum3A_522 : vector<16xf32>, vector<16xi1> -> vector<16xf32>
    %reduce_sum3A_524 = vector.extract %reduce_sum3A_523[15] : f32 from vector<16xf32>
    %eq3A_525 = vector.broadcast %min3A_510 : i32 to vector<16xi32>
    %eq3A_526 = arith.cmpi eq, %iota3A, %eq3A_525 : vector<16xi32>
    %select_n3A_527 = arith.select %eq3A_526, %get3A_454, %broadcast_in_dim3A_110 : vector<16xi1>, vector<16xf32>
    %reduce_sum3A_528 = arith.constant true
    %reduce_sum3A_529 = vector.broadcast %reduce_sum3A_528 : i1 to vector<16xi1>
    %reduce_sum3A_530 = tpu.scan <sum>, %select_n3A_527 masked %reduce_sum3A_529 : vector<16xf32>, vector<16xi1> -> vector<16xf32>
    %reduce_sum3A_531 = vector.extract %reduce_sum3A_530[15] : f32 from vector<16xf32>
    %add3A_532 = arith.addf %reduce_sum3A_408, %add3A_481 : f32
    %mul3A_533 = arith.mulf %reduce_sum3A_517, %add3A_532 : f32
    %mul3A_534 = arith.mulf %reduce_sum3A_524, %mul3A_533 : f32
    %mul3A_535 = arith.mulf %reduce_sum3A_531, %mul3A_534 : f32
    %broadcast_in_dim3A_536 = vector.broadcast %mul3A_535 : f32 to vector<16xf32>
    %swap3A = arith.constant 0 : index
    %swap3A_537 = tpu.vector_load %arg12[%swap3A] {strides = array<i32>} : memref<16xf32, #tpu.memory_space<vmem>>, vector<16xf32>,
    tpu.vector_store %arg12[%swap3A], %broadcast_in_dim3A_536 {strides = array<i32>} : memref<16xf32, #tpu.memory_space<vmem>>, vector<16xf32>,
    "tpu.region"() ({
      %run_scoped3A = tpu.sem_alloc : memref<!tpu.dma_semaphore, #tpu.memory_space<semaphore_mem>>
      %dma_start3A_538 = arith.constant 0 : i32
      %dma_start3A_539 = tpu.memref_slice %arg12[%dma_start3A_538] : memref<16xf32, #tpu.memory_space<vmem>> -> memref<1xf32, #tpu.memory_space<vmem>>
      %dma_start3A_540 = arith.constant 0 : i32
      %dma_start3A_541 = tpu.memref_slice %arg12[%dma_start3A_540] : memref<16xf32, #tpu.memory_space<vmem>> -> memref<1xf32, #tpu.memory_space<vmem>>
      tpu.enqueue_dma source(%dma_start3A_541 : memref<1xf32, #tpu.memory_space<vmem>>) target(%arg8 : memref<1xf32, #tpu.memory_space<hbm>>) target_semaphore(%run_scoped3A : memref<!tpu.dma_semaphore, #tpu.memory_space<semaphore_mem>>)
      %dma_wait3A_542 = arith.constant 0 : i32
      %dma_wait3A_543 = tpu.memref_slice %arg12[%dma_wait3A_542] : memref<16xf32, #tpu.memory_space<vmem>> -> memref<1xf32, #tpu.memory_space<vmem>>
      %dma_wait3A_544 = arith.constant 0 : i32
      %dma_wait3A_545 = tpu.memref_slice %arg12[%dma_wait3A_544] : memref<16xf32, #tpu.memory_space<vmem>> -> memref<1xf32, #tpu.memory_space<vmem>>
      tpu.wait_dma2 semaphore(%run_scoped3A : memref<!tpu.dma_semaphore, #tpu.memory_space<semaphore_mem>>) src(%dma_wait3A_545 : memref<1xf32, #tpu.memory_space<vmem>>) dst(%arg8 : memref<1xf32, #tpu.memory_space<hbm>>)
      tpu.yield
    }) : () -> ()
    return
  }
}

</mosaic_0001>

<sc_bundles>
// kernel: kernel.3.cloned.1.call-start
scs
__scs_entry_jumppad:
0x0: {  	(pc) =	sbr.rel $0x88, $3  }
0x1: {  	(tag) =	ssettag $0x0;
	lr =	simm.s32 $0x1  }
0x2: {  	[smem:$0x3F9B] =	sst lr;
	_ =	strace $0xD0000000  }
0x3: {  	_ = 	snop  }
0x4: {  	_ = 	snop  }
0x5: {  	_ = 	snop  }
0x6: {  	_ = 	snop  }
0x7: {  	_ = 	snop  }
__scs_overlays_trampoline_lowered:
0x8: {  	[smem:$0x3FAA] =	sst s0  }
0x9: {  	[smem:$0x3FAB] =	sst s1  }
0xa: {  	[smem:$0x3FAC] =	sst s2  }
0xb: {  	[smem:$0x3FAD] =	sst s3  }
0xc: {  	[smem:$0x3FAE] =	sst s4  }
0xd: {  	[smem:$0x3FAF] =	sst s5  }
0xe: {  	[smem:$0x3FB0] =	sst s6  }
0xf: {  	[smem:$0x3FB1] =	sst s7  }
0x10: {  	[smem:$0x3FB2] =	sst s8  }
0x11: {  	[smem:$0x3FB3] =	sst s9;
	s0 =	simm.s32 @!p0 $0x0  }
0x12: {  	s1 =	sld [smem:$0x3F99];
	s0 =	simm.s32 @p0 $0x1  }
0x13: {  	[smem:$0x3FB4] =	sst s0;
	s0 =	simm.s32 @!p1 $0x0  }
0x14: {  	s2 =	sld [smem:$0x3F98];
	s0 =	simm.s32 @p1 $0x1  }
0x15: {  	[smem:$0x3FB5] =	sst s0;
	s0 =	simm.s32 @!p2 $0x0  }
0x16: {  	s3 =	sld [smem:$0x3FDB];
	s0 =	simm.s32 @p2 $0x1  }
0x17: {  	s4 =	simm.s32 $0x1BF5;
	[smem:$0x3FB7] =	sst s0  }
0x18: {  	s0 =	sld [smem:$0x3F9A];
	_ =	swait.ge [sflag:s4], $0x0  }
0x19: {  	s7 =	sld [smem:$0x3F9B]  }
0x1a: {  	s8 =	sadd.s32 $0xFFFFE003, lr  }
0x1b: {  	s9 =	sadd.s32 $0xFFFFFEF7, lr;
	s5 =	simm.s32 $0xFFFFFFFF;
	p2 =	slt.u32 s8, $0xFFFFF086  }
0x1c: {  	p1 =	slt.u32 s9, $0xF7A;
	s5 =	simm.s32 @!p2 $0x0  }
0x1d: {  	s5 =	simm.s32 @p1 $0x1;
	p0 =	seq.s32 s7, s2  }
0x1e: {  	s7 =	smul.u32 @!p0 $0xF7A, s2;
	p2 =	seq.s32 @!p0 s5, $0x0  }
0x1f: {  	s9 =	smul.u32 $0xF7A, s1;
	s8 =	simm.s32 @!p0 $0x1BF5;
	p2 =	por !p2, p0  }
0x20: {  	[sflag:s8] =	ssyncset.s32 @!p0 $0xFFFFF086;
	s6 =	sadd.s32 @!p0 s3, s7;
	s7 =	simm.s32 @!p0 $0x108  }
0x21: {  	s3 =	sadd.s32 s3, s9;
	s6 =	sadd.s32 @!p0 $0x88, s6;
	s7 =	simm.s32 @p2 $0x1082  }
0x22: {  	[simem:s7], [sflag:s8] =	dma.local @!p0 [hbm:s6], $0xF7A  }
0x23: {  	s9 =	sor.u32 $0xD0000000, s2;
	s6 =	simm.s32 $0x108;
	_ =	swait.ge @!p0 [sflag:s8], $0x0  }
0x24: {  	s3 =	sadd.s32 $0x88, s3;
	s6 =	simm.s32 @!p1 $0x1082;
	[sflag:s4] =	ssyncset.s32 $0xFFFFF086  }
0x25: {  	[simem:s6], [sflag:s4] =	dma.local [hbm:s3], $0xF7A  }
0x26: {  	[smem:$0x3F9B] =	sst s1;
	(tag) =	ssettag s2;
	_ =	strace s9  }
0x27: {  	s1 =	sld [smem:$0x3FAB]  }
0x28: {  	s2 =	sld [smem:$0x3FAC]  }
0x29: {  	s4 =	sld [smem:$0x3FAE]  }
0x2a: {  	p0 =	seq.s32 s5, $0x0;
	s5 =	sld [smem:$0x3FAF]  }
0x2b: {  	s6 =	sld [smem:$0x3FB0]  }
0x2c: {  	s7 =	sld [smem:$0x3FB1]  }
0x2d: {  	s3 =	simm.s32 $0x108;
	s8 =	sld [smem:$0x3FB2]  }
0x2e: {  	s3 =	simm.s32 @!p0 $0x1082;
	s9 =	sld [smem:$0x3FB3]  }
0x2f: {  	lr =	sadd.s32 s0, s3;
	s0 =	sld [smem:$0x3FAA]  }
0x30: {  	s3 =	sld [smem:$0x3FAD]  }
0x31: {  	[smem:$0x3FB6] =	sst s10  }
0x32: {  	s10 =	sld [smem:$0x3FB4];
	_ =	sdelay $0x3  }
0x33: {  	p0 =	seq.s32 s10, $0x1;
	s10 =	sld [smem:$0x3FB6];
	_ =	sdelay $0x3  }
0x34: {  	[smem:$0x3FB6] =	sst s10  }
0x35: {  	s10 =	sld [smem:$0x3FB5];
	_ =	sdelay $0x3  }
0x36: {  	p1 =	seq.s32 s10, $0x1;
	s10 =	sld [smem:$0x3FB6];
	_ =	sdelay $0x3  }
0x37: {  	[smem:$0x3FB6] =	sst s10  }
0x38: {  	s10 =	sld [smem:$0x3FB7]  }
0x39: {  	_ = 	snop;
	(pc) =	sbr.ind lr, $3  }
0x3a: {  	_ = 	snop  }
0x3b: {  	_ = 	snop  }
0x3c: {  	p2 =	seq.s32 s10, $0x1;
	s10 =	sld [smem:$0x3FB6]  }
0x3d: {  	_ =	shalt  }
0x3e: {  	_ =	shalt  }
0x3f: {  	_ =	shalt  }
0x40: {  	_ =	shalt  }
0x41: {  	_ =	shalt  }
0x42: {  	_ =	shalt  }
0x43: {  	_ =	shalt  }
0x44: {  	_ =	shalt  }
0x45: {  	_ =	shalt  }
0x46: {  	_ =	shalt  }
0x47: {  	_ =	shalt  }
0x48: {  	_ =	shalt  }
0x49: {  	_ =	shalt  }
0x4a: {  	_ =	shalt  }
0x4b: {  	_ =	shalt  }
0x4c: {  	_ =	shalt  }
0x4d: {  	_ =	shalt  }
0x4e: {  	_ =	shalt  }
0x4f: {  	_ =	shalt  }
0x50: {  	_ =	shalt  }
0x51: {  	_ =	shalt  }
0x52: {  	_ =	shalt  }
0x53: {  	_ =	shalt  }
0x54: {  	_ =	shalt  }
0x55: {  	_ =	shalt  }
0x56: {  	_ =	shalt  }
0x57: {  	_ =	shalt  }
0x58: {  	_ =	shalt  }
0x59: {  	_ =	shalt  }
0x5a: {  	_ =	shalt  }
0x5b: {  	_ =	shalt  }
0x5c: {  	_ =	shalt  }
0x5d: {  	_ =	shalt  }
0x5e: {  	_ =	shalt  }
0x5f: {  	_ =	shalt  }
0x60: {  	_ =	shalt  }
0x61: {  	_ =	shalt  }
0x62: {  	_ =	shalt  }
0x63: {  	_ =	shalt  }
0x64: {  	_ =	shalt  }
0x65: {  	_ =	shalt  }
0x66: {  	_ =	shalt  }
0x67: {  	_ =	shalt  }
0x68: {  	_ =	shalt  }
0x69: {  	_ =	shalt  }
0x6a: {  	_ =	shalt  }
0x6b: {  	_ =	shalt  }
0x6c: {  	_ =	shalt  }
0x6d: {  	_ =	shalt  }
0x6e: {  	_ =	shalt  }
0x6f: {  	_ =	shalt  }
0x70: {  	_ =	shalt  }
0x71: {  	_ =	shalt  }
0x72: {  	_ =	shalt  }
0x73: {  	_ =	shalt  }
0x74: {  	_ =	shalt  }
0x75: {  	_ =	shalt  }
0x76: {  	_ =	shalt  }
0x77: {  	_ =	shalt  }
0x78: {  	_ =	shalt  }
0x79: {  	_ =	shalt  }
0x7a: {  	_ =	shalt  }
0x7b: {  	_ =	shalt  }
0x7c: {  	_ =	shalt  }
0x7d: {  	_ =	shalt  }
0x7e: {  	_ =	shalt  }
0x7f: {  	_ =	shalt  }
0x80: {  	_ =	shalt  }
0x81: {  	_ =	shalt  }
0x82: {  	_ =	shalt  }
0x83: {  	_ =	shalt  }
0x84: {  	_ =	shalt  }
0x85: {  	_ =	shalt  }
0x86: {  	_ =	shalt  }
0x87: {  	_ =	shalt  }
.Lfunc_end0:
.L_simem_size_0:
called_computation_lowered:
.L_overlay_start_0:
0x88: {  	s0 =	sld [smem:$0x3FD9]  }
0x89: {  	s1 =	sld [smem:$0x3FFE];
	_ =	sdelay $0x3  }
0x8a: {  	s0 =	sadd.s32 s1, s0  }
0x8b: {  	[smem:$0x3FC2] =	sst s0  }
0x8c: {  	_ = 	snop  }
0x8d: {  	s0 =	sld [smem:$0x3FC9]  }
0x8e: {  	s16 =	sld [smem:$0x3FD0];
	(tm) =	ssettm $0x1  }
0x8f: {  	s2 =	sld [smem:$0x3FFB];
	_ =	sdelay $0x3  }
0x90: {  	_ =	strace s2  }
0x91: {  	s2 =	sld [smem:$0x3FFC];
	_ =	sdelay $0x3  }
0x92: {  	_ =	strace s2  }
0x93: {  	s2 =	sld [smem:$0x3FFD];
	_ =	sdelay $0x3  }
0x94: {  	_ =	strace s2  }
0x95: {  	_ =	strace $0x8FFFFFFF  }
0x96: {  	s17 =	sld [smem:$0x3FDB];
	_ =	sdelay $0x1  }
0x97: {  	s3 =	simm.s32 $_scs_section_size  }
0x98: {  	s4 =	simm.s32 $_size__tile_overlayer_lowered;
	s5 =	simm.s32 $_tile_overlayer_lowered  }
0x99: {  	s20 =	simm.s32 $0x1BFF;
	s19 =	sshll.u32 s5, $0x1;
	s2 =	sadd.s32 s3, s17  }
0x9a: {  	s6 =	simm.s32 $0x0;
	s18 =	sshll.u32 s4, $0x1;
	s4 =	sadd.s32 s19, s2  }
0x9b: {  	[timem:s6], [sflag:s20] =	dma.local [hbm:s4], s18  }
0x9c: {  	_ =	swait.ge [sflag:s20], s18  }
0x9d: {  	s3 =	ssub.s32 $0x0, s18;
	[sflag:s20] =	ssyncset.done $0x0  }
0x9e: {  	[sflag:s20] =	ssyncadd.s32 s3;
	_ =	sdelay $0x1  }
0x9f: {  	s21 =	simm.s32 $0x1B8B  }
0xa0: {  	_ =	swait.ge [sflag:s21], $0x1  }
0xa1: {  	[sflag:s21] =	ssyncset.done $0x0  }
0xa2: {  	s23 =	simm.s32 $0x1B8E;
	s22 =	sld [smem:$0x3FFE];
	[sflag:s21] =	ssyncadd.s32 $0xFFFFFFFF  }
0xa3: {  	s24 =	simm.s32 $execute0_lowered;
	[smem:$0x3FD2] =	sst s23  }
0xa4: {  	s4 =	sshll.u32 s24, $0x1;
	_ =	strace $0x80000046;
	[dreg:$0x1] =	wrdreg $0xFFFFFFFF  }
0xa5: {  	s25 =	simm.s32 $_size_execute0_lowered;
	s2 =	sadd.s32 s2, s4;
	[dreg:$0x0] =	wrdreg $0x0  }
0xa6: {  	s4 =	sshll.u32 s25, $0x1;
	[dreg:$0x2] =	wrdreg s2  }
0xa7: {  	[dreg:$0x3] =	wrdreg s4  }
0xa8: {  	[dreg:$0x4] =	wrdreg $0xC0  }
0xa9: {  	_ =	task [dreg:s6], $0x5FFFF  }
0xaa: {  	[dreg:$0x1] =	wrdreg $0xFFFFFFFF  }
0xab: {  	[dreg:$0x0] =	wrdreg $0x60  }
0xac: {  	[dreg:$0x2] =	wrdreg s0  }
0xad: {  	[dreg:$0x3] =	wrdreg s22  }
0xae: {  	[dreg:$0x4] =	wrdreg s16  }
0xaf: {  	[dreg:$0x5] =	wrdreg $0x9  }
0xb0: {  	_ =	task.clear_ibuf [dreg:s6], $0x6FFFF;
	_ =	strace $0x90000046  }
0xb1: {  	s26 =	simm.s32 $0x9;
	_ =	strace $0x80000048  }
0xb2: {  	_ =	swait.ge [sflag:s26], $0x1  }
0xb3: {  	[sflag:s26] =	ssyncadd.s32 $0xFFFFFFFF  }
0xb4: {  	_ =	strace $0x90000048  }
0xb5: {  	_ =	sfence  }
0xb6: {  	s28 =	sld [smem:$0x0];
	_ =	sdelay $0x1  }
0xb7: {  	s29 =	srdreg.scid  }
0xb8: {  	s30 =	sshll.u32 s29, $0xD;
	s31 =	sshrl.u32 s29, $0x2  }
0xb9: {  	s1 =	sand.u32 $0x1, s29;
	s2 =	sand.u32 $0x4000, s30;
	s0 =	sadd.s32 s31, s28  }
0xba: {  	s1 =	sor.u32 s2, s1;
	s0 =	sshll.u32 s0, $0x11  }
0xbb: {  	s0 =	sor.u32 s0, s1  }
0xbc: {  	s0 =	sadd.s32 $0x8F2B, s0  }
0xbd: {  	[sflag:s0] =	ssyncadd.remote.s32 $0x1  }
0xbe: {  	_ =	sfence.sel $0xFFFF  }
0xbf: {  	[dreg:$0x0] =	wrdreg $0xFFFFFFFF;
	(pc) =	sbr.abs _section_cstart, $3  }
0xc0: {  	[dreg:$0x1] =	wrdreg $0xFFFFFFFF  }
0xc1: {  	_ =	task.clear_ibuf [dreg:s6], $0x2FFFF;
	_ =	strace $0x9FFFFFFF  }
0xc2: {  	(tm) =	ssettm $0x7FFFFFFF  }
0xc3: {  	_ =	shalt  }
tec
execute0_lowered:
.L_overlay_start_1:
0x0: {  	(tag) =	ssettag $0x1  }
0x1: {  	s5 =	stileid.u32  }
0x2: {  	p0 =	sne.s32 s5, $0x0  }
.Ltmp0:
0x3: {  	s4 =	rddreg [dreg:$0x0];
	(pc) =	sbr.rel @p0 .LBB2_2-.Ltmp0, $4  }
0x4: {  	s3 =	rddreg [dreg:$0x1]  }
0x5: {  	s1 =	rddreg [dreg:$0x2];
	s2 =	simm.s32 $0x0  }
0x6: {  	[smem:$0x7FF] =	sst s2  }
0x7: {  	s0 =	rddreg [dreg:$0x3];
	_ =	strace $0x80000047  }
0x8: {  	[tilespmem:s2], [sflag:$0x1] =	stream.linear.gather [hbm4b:s4+s2], $0x180, $0x38;
	[tilespmem:$0x340] =	vst v63  }
0x9: {  	s7 =	sadd.s32 $0xC00, s3;
	s15 =	simm.s32 $0x180  }
0xa: {  	[tilespmem:s15], [sflag:$0x2] =	stream.linear.gather [hbm4b:s7+s2], $0x175, $0x38;
	[tilespmem:$0x340] =	vst v63  }
0xb: {  	s16 =	sadd.s32 $0x4000, s3;
	s5 =	simm.s32 $0x300;
	v2 =	vimm.s32 $0x17C;
	vm3 =	vcmask $0x300  }
0xc: {  	vm1 =	vcmask $0x704;
	v0 =	vsel vm3, $0x177, v2;
	[tilespmem:s5], [sflag:$0x3] =	stream.linear.gather [hbm4b:s16+s2], $0x4, $0x38;
	[tilespmem:$0x340] =	vst v63  }
0xd: {  	s17 =	sadd.s32 $0x3E00, s3;
	s18 =	simm.s32 $0x308;
	vm2 =	vcmask $0xB08;
	v0 =	vsel vm1, $0x178, v0  }
0xe: {  	vm4 =	vcmask $0xF0C;
	v0 =	vsel vm2, $0x179, v0;
	[tilespmem:s18], [sflag:$0x4] =	stream.linear.gather [hbm4b:s17+s2], $0x2, $0x38;
	[tilespmem:$0x340] =	vst v63  }
0xf: {  	s19 =	sadd.s32 $0x3C00, s3;
	s20 =	simm.s32 $0x310;
	vm5 =	vcmask $0x1310;
	v0 =	vsel vm4, $0x17A, v0  }
0x10: {  	vm0 =	vcmask $0x1B18;
	v0 =	vsel vm5, $0x17B, v0;
	[tilespmem:s20], [sflag:$0x5] =	stream.linear.gather [hbm4b:s19+s2], $0xC, $0x38;
	[tilespmem:$0x340] =	vst v63  }
0x11: {  	s21 =	sadd.s32 $0x3A00, s3;
	s22 =	simm.s32 $0x320;
	s3 =	simm.s32 $0x1;
	v0 =	vsel vm0, $0x1, v0  }
0x12: {  	[tilespmem:s22], [sflag:$0x6] =	stream.linear.gather [hbm4b:s21+s2], $0x3, $0x38;
	[tilespmem:$0x340] =	vst v63  }
0x13: {  	_ =	swait.ge [sflag:s3], $0x180  }
0x14: {  	[sflag:s3] =	ssyncset.done $0x0  }
0x15: {  	[sflag:s3] =	ssyncadd.s32 $0xFFFFFE80  }
0x16: {  	v0 =	vld.idx.msk [tilespmem:v0+s2+$0x0], $0xffff;
	_ =	sdelay $0x4  }
0x17: {  	(v2sf) =	vpush v0, $0x0  }
0x18: {  	(v2sf) =	vpush v0, $0x1  }
0x19: {  	(v2sf) =	vpush v0, $0x2;
	_ =	sdelay $0xa  }
0x1a: {  	(v2sf) =	vpush v0, $0x6;
	_ =	sdelay $0x1  }
0x1b: {  	s6 =	spop (v2sf)  }
0x1c: {  	s23 =	spop (v2sf)  }
0x1d: {  	s24 =	spop (v2sf)  }
0x1e: {  	s8 =	scvt.f32.s32 s24;
	_ =	sdelay $0x1  }
0x1f: {  	s9 =	scvt.s32.f32 s8;
	_ =	sdelay $0x1  }
0x20: {  	p1 =	slt.f32 s24, s9  }
0x21: {  	s5 =	simm.s32 $0x1  }
0x22: {  	s5 =	simm.s32 @!p1 $0x0  }
0x23: {  	s8 =	ssub.s32 s8, s5  }
0x24: {  	p1 =	slt.s32 s8, $0x0;
	s5 =	sadd.s32 $0xF6, s8  }
0x25: {  	s8 =	smov.u32 @p1 s5  }
0x26: {  	s26 =	simm.s32 $0x2;
	s25 =	spop (v2sf);
	p1 =	slt.s32 s8, $0x1  }
0x27: {  	_ =	swait.ge [sflag:s26], $0x175;
	s8 =	smin.u32 @!p1 s8, $0xF5  }
0x28: {  	[sflag:s26] =	ssyncset.done $0x0;
	s8 =	smul.u32 @!p1 $0x2F, s8  }
0x29: {  	[sflag:s26] =	ssyncadd.s32 $0xFFFFFE8B  }
0x2a: {  	s9 =	simm.s32 @!p1 $0x180;
	s7 =	sadd.s32 @!p1 s7, s8;
	s8 =	simm.s32 @!p1 $0x0  }
0x2b: {  	[tilespmem:s9], [sflag:$0x7] =	stream.linear.gather @!p1 [hbm4b:s7+s8], $0x175, $0x38;
	[tilespmem:$0x340] =	vst v63  }
0x2c: {  	s7 =	simm.s32 @!p1 $0x7  }
0x2d: {  	_ =	swait.ge @!p1 [sflag:s7], $0x175  }
0x2e: {  	[sflag:s7] =	ssyncset.done @!p1 $0x0  }
0x2f: {  	[sflag:s7] =	ssyncadd.s32 @!p1 $0xFFFFFE8B  }
0x30: {  	v1 =	vld [tilespmem:$0x180];
	_ =	sdelay $0x4  }
0x31: {  	v3 =	vld [tilespmem:$0x190];
	v5 =	vmul.f32 $1.442695020e+00, v1  }
0x32: {  	v4 =	vld [tilespmem:$0x1A0]  }
0x33: {  	v6 =	vld [tilespmem:$0x1B0];
	(erf) = vpow2.f32 v5  }
0x34: {  	v13 =	vld [tilespmem:$0x1C0]  }
0x35: {  	v15 =	vld [tilespmem:$0x1D0]  }
0x36: {  	v1 =	vlaneseq.u32;
	v3 =	vmul.f32 $1.442695020e+00, v3  }
0x37: {  	v14 =	vmul.f32 $1.442695020e+00, v4;
	v7 =	vadd.s32 $0x2, v1  }
0x38: {  	v16 =	vmul.f32 $1.442695020e+00, v6;
	v8 =	vadd.s32 $0x12, v1;
	(erf) = vpow2.f32 v3  }
0x39: {  	v20 =	vld [tilespmem:$0x1E0];
	v19 =	vmul.f32 $1.442695020e+00, v13;
	(erf) = vpow2.f32 v14  }
0x3a: {  	v22 =	vld [tilespmem:$0x1F0];
	v21 =	vmul.f32 $1.442695020e+00, v15;
	(erf) = vpow2.f32 v16  }
0x3b: {  	v24 =	vld [tilespmem:$0x200];
	v9 =	vadd.s32 $0x22, v1;
	(erf) = vpow2.f32 v19  }
0x3c: {  	v17 =	vld.idx.msk [tilespmem:v7+s2+$0x0], $0xffff;
	v11 =	vpop (erf);
	(erf) = vpow2.f32 v21  }
0x3d: {  	v18 =	vadd.s32 $0x32, v1;
	v8 =	vld.idx.msk [tilespmem:v8+s2+$0x0], $0xffff  }
0x3e: {  	v25 =	vld [tilespmem:$0x210]  }
0x3f: {  	v28 =	vld [tilespmem:$0x220];
	v10 =	vadd.s32 $0x42, v1  }
0x40: {  	v4 =	vmul.f32 $1.442695020e+00, v22;
	v5 =	vmul.f32 $1.442695020e+00, v20;
	v9 =	vld.idx.msk [tilespmem:v9+s2+$0x0], $0xffff  }
0x41: {  	v31 =	vld [tilespmem:$0x230];
	v23 =	vadd.s32 $0x52, v1;
	v3 =	vmul.f32 $1.442695020e+00, v24;
	v6 =	vmul.f32 v11, v17;
	v12 =	vpop (erf)  }
0x42: {  	v26 =	vadd.s32 $0x62, v1;
	v7 =	vld.idx.msk [tilespmem:v18+s2+$0x0], $0xffff;
	(erf) = vpow2.f32 v5;
	v8 =	vmul.f32 v12, v8;
	v13 =	vpop (erf)  }
0x43: {  	v37 =	vld [tilespmem:$0x240];
	(erf) = vpow2.f32 v4;
	v12 =	vmul.f32 $1.442695020e+00, v25;
	v6 =	vadd.f32 $0.0e+00, v6;
	v29 =	vpop (erf)  }
0x44: {  	v30 =	vadd.s32 $0x72, v1;
	v10 =	vld.idx.msk [tilespmem:v10+s2+$0x0], $0xffff;
	(erf) = vpow2.f32 v3;
	v32 =	vpop (erf)  }
0x45: {  	v40 =	vld [tilespmem:$0x250];
	v27 =	vmul.f32 v13, v9;
	v6 =	vadd.f32 v8, v6;
	v35 =	vpop (erf);
	(erf) = vpow2.f32 v12  }
0x46: {  	v11 =	vld.idx.msk [tilespmem:v23+s2+$0x0], $0xffff  }
0x47: {  	v33 =	vadd.s32 $0x82, v1;
	v5 =	vld.idx.msk [tilespmem:v26+s2+$0x0], $0xffff;
	v7 =	vmul.f32 v29, v7;
	v6 =	vadd.f32 v27, v6  }
0x48: {  	v43 =	vld [tilespmem:$0x260];
	v36 =	vadd.s32 $0x92, v1;
	v39 =	vadd.s32 $0xA2, v1;
	v9 =	vmul.f32 $1.442695020e+00, v28  }
0x49: {  	v34 =	vmul.f32 v32, v10;
	v8 =	vmul.f32 $1.442695020e+00, v31;
	v6 =	vadd.f32 v7, v6  }
0x4a: {  	v42 =	vadd.s32 $0xB2, v1;
	v4 =	vld.idx.msk [tilespmem:v30+s2+$0x0], $0xffff;
	v12 =	vmul.f32 $1.442695020e+00, v37;
	(erf) = vpow2.f32 v9  }
0x4b: {  	v45 =	vld [tilespmem:$0x270];
	v38 =	vmul.f32 v35, v11;
	v41 =	vpop (erf);
	v6 =	vadd.f32 v34, v6;
	(erf) = vpow2.f32 v8  }
0x4c: {  	v47 =	vadd.s32 $0xC2, v1;
	v3 =	vld.idx.msk [tilespmem:v33+s2+$0x0], $0xffff;
	v9 =	vmul.f32 $1.442695020e+00, v40;
	v5 =	vmul.f32 v41, v5;
	v44 =	vpop (erf)  }
0x4d: {  	v48 =	vld [tilespmem:$0x280];
	v8 =	vmul.f32 $1.442695020e+00, v43;
	v46 =	vpop (erf);
	(erf) = vpow2.f32 v12;
	v6 =	vadd.f32 v38, v6  }
0x4e: {  	v54 =	vadd.s32 $0xE2, v1;
	v13 =	vld.idx.msk [tilespmem:v36+s2+$0x0], $0xffff;
	v49 =	vpop (erf);
	(erf) = vpow2.f32 v9  }
0x4f: {  	v52 =	vld [tilespmem:$0x290];
	v4 =	vmul.f32 v44, v4;
	v5 =	vadd.f32 v5, v6;
	(erf) = vpow2.f32 v8  }
0x50: {  	vm8 =	vcmask $0x1714;
	vm9 =	vcmask $0x1F1C;
	v10 =	vld.idx.msk [tilespmem:v39+s2+$0x0], $0xffff  }
0x51: {  	v50 =	vadd.s32 $0xD2, v1;
	v56 =	vld.idx.msk [tilespmem:v47+s2+$0x0], $0xffff;
	v3 =	vmul.f32 v46, v3;
	v4 =	vadd.f32 v4, v5  }
0x52: {  	vm10 =	vcmask $0x2320;
	v2 =	vsel vm3, $0x172, v2;
	v7 =	vld.idx.msk [tilespmem:v42+s2+$0x0], $0xffff;
	v6 =	vmul.f32 $1.442695020e+00, v45  }
0x53: {  	v21 =	vld [tilespmem:$0x2A0];
	v5 =	vmul.f32 $1.442695020e+00, v48;
	v3 =	vadd.f32 v3, v4;
	v51 =	vmul.f32 v49, v13;
	v53 =	vpop (erf)  }
0x54: {  	v58 =	vadd.s32 $0xF2, v1;
	v11 =	vmul.f32 $1.442695020e+00, v52;
	v8 =	vld.idx.msk [tilespmem:v54+s2+$0x0], $0xffff;
	v57 =	vpop (erf);
	(erf) = vpow2.f32 v6  }
0x55: {  	v23 =	vld [tilespmem:$0x2B0];
	v55 =	vmul.f32 v53, v10;
	v3 =	vadd.f32 v51, v3;
	(erf) = vpow2.f32 v5  }
0x56: {  	v2 =	vsel vm1, $0x173, v2;
	v61 =	vadd.s32 $0x102, v1;
	v60 =	vld.idx.msk [tilespmem:v50+s2+$0x0], $0xffff;
	v63 =	vpop (erf);
	(erf) = vpow2.f32 v11  }
0x57: {  	v2 =	vsel vm2, $0x174, v2;
	v26 =	vld [tilespmem:$0x2C0];
	v59 =	vmul.f32 v57, v7;
	v3 =	vadd.f32 v55, v3;
	v16 =	vpop (erf)  }
0x58: {  	v2 =	vsel vm4, $0x175, v2;
	v62 =	vadd.s32 $0x112, v1;
	v15 =	vmul.f32 v63, v56;
	v19 =	vpop (erf)  }
0x59: {  	v6 =	vld.idx.msk [tilespmem:v58+s2+$0x0], $0xffff;
	v3 =	vadd.f32 v59, v3;
	v20 =	vmul.f32 v19, v8;
	v8 =	vmul.f32 $1.442695020e+00, v21  }
0x5a: {  	v2 =	vsel vm5, $0x176, v2;
	v28 =	vld [tilespmem:$0x2D0];
	v32 =	vadd.s32 $0x122, v1;
	v31 =	vmul.f32 $1.442695020e+00, v23  }
0x5b: {  	v18 =	vld.idx.msk [tilespmem:v61+s2+$0x0], $0xffff;
	v3 =	vadd.f32 v15, v3;
	v17 =	vmul.f32 v16, v60;
	(erf) = vpow2.f32 v8  }
0x5c: {  	vm11 =	vcmask $0x2724;
	v2 =	vsel vm8, $0x177, v2;
	v33 =	vmul.f32 $1.442695020e+00, v26;
	v34 =	vld [tilespmem:$0x2E0]  }
0x5d: {  	v36 =	vld [tilespmem:$0x2F0];
	v35 =	vadd.s32 $0x132, v1;
	v22 =	vpop (erf);
	v3 =	vadd.f32 v17, v3;
	(erf) = vpow2.f32 v31  }
0x5e: {  	v2 =	vsel vm0, $0x178, v2;
	v37 =	vadd.s32 $0x142, v1;
	v5 =	vld.idx.msk [tilespmem:v62+s2+$0x0], $0xffff;
	v24 =	vmul.f32 v22, v6;
	v25 =	vpop (erf)  }
0x5f: {  	v6 =	vmul.f32 $1.442695020e+00, v28;
	v29 =	vpop (erf);
	v3 =	vadd.f32 v20, v3;
	(erf) = vpow2.f32 v33  }
0x60: {  	v2 =	vsel vm9, $0x179, v2;
	v39 =	vadd.s32 $0x152, v1;
	v38 =	vld.idx.msk [tilespmem:v32+s2+$0x0], $0xffff;
	v27 =	vmul.f32 v25, v18  }
0x61: {  	v8 =	vmul.f32 $1.442695020e+00, v34;
	v3 =	vadd.f32 v24, v3;
	(erf) = vpow2.f32 v6  }
0x62: {  	v2 =	vsel vm10, $0x17A, v2;
	v40 =	vadd.s32 $0x162, v1;
	v9 =	vld.idx.msk [tilespmem:v35+s2+$0x0], $0xffff;
	v10 =	vmul.f32 $1.442695020e+00, v36  }
0x63: {  	v30 =	vmul.f32 v29, v5;
	(erf) = vpow2.f32 v8;
	v3 =	vadd.f32 v27, v3  }
0x64: {  	v2 =	vsel vm11, $0x17B, v2;
	v5 =	vld.idx.msk [tilespmem:v37+s2+$0x0], $0xffff;
	v41 =	vpop (erf);
	(erf) = vpow2.f32 v10  }
0x65: {  	v3 =	vadd.f32 v30, v3;
	v42 =	vmul.f32 v41, v38  }
0x66: {  	v7 =	vld.idx.msk [tilespmem:v39+s2+$0x0], $0xffff;
	v43 =	vpop (erf)  }
0x67: {  	v44 =	vmul.f32 v43, v9;
	v3 =	vadd.f32 v42, v3  }
0x68: {  	v46 =	vld.idx.msk [tilespmem:v40+s2+$0x0], $0xffff;
	v45 =	vpop (erf)  }
0x69: {  	v2 =	vld.idx.msk [tilespmem:v2+s2+$0x0], $0xffff;
	v47 =	vmul.f32 v45, v5;
	v3 =	vadd.f32 v44, v3  }
0x6a: {  	v48 =	vpop (erf)  }
0x6b: {  	v49 =	vmul.f32 v48, v7;
	v3 =	vadd.f32 v47, v3  }
0x6c: {  	v50 =	vpop (erf)  }
0x6d: {  	v51 =	vmul.f32 v50, v46;
	v3 =	vadd.f32 v49, v3;
	v52 =	vpop (erf)  }
0x6e: {  	v2 =	vmul.f32 v52, v2  }
0x6f: {  	vm12 =	vmmov $0x1f;
	v3 =	vadd.f32 v51, v3  }
0x70: {  	v2 =	vnsel vm12, $0x0, v2  }
0x71: {  	v2 =	vadd.f32 v2, v3;
	_ =	sdelay $0x1  }
0x72: {  	(xrf2) =	vadd.scan.msk.f32 $0xffff, v2;
	_ =	sdelay $0x9  }
0x73: {  	v2, _, _ =	vpop (xrf2)  }
0x74: {  	(v2sf) =	vpush v2, $0xF;
	_ =	sdelay $0xe  }
0x75: {  	s30 =	simm.s32 $0x3;
	s29 =	spop (v2sf)  }
0x76: {  	_ =	swait.ge [sflag:s30], $0x4  }
0x77: {  	[sflag:s30] =	ssyncset.done $0x0  }
0x78: {  	s31 =	simm.s32 $0x4;
	s28 =	scvt.f32.s32 s6;
	[sflag:s30] =	ssyncadd.s32 $0xFFFFFFFC  }
0x79: {  	s13 =	simm.s32 $0x5;
	s4 =	simm.s32 $0x1;
	_ =	swait.ge [sflag:s31], $0x2  }
0x7a: {  	s11 =	scvt.f32.s32 s23;
	s10 =	scvt.s32.f32 s28;
	[sflag:s31] =	ssyncset.done $0x0  }
0x7b: {  	s15 =	simm.s32 $0x6;
	s12 =	scvt.f32.s32 s25;
	[sflag:s31] =	ssyncadd.s32 $0xFFFFFFFE  }
0x7c: {  	p1 =	slt.f32 s6, s10;
	s10 =	scvt.s32.f32 s11;
	_ =	swait.ge [sflag:s13], $0xC  }
0x7d: {  	s14 =	scvt.s32.f32 s12;
	s9 =	simm.s32 $0x1;
	[sflag:s13] =	ssyncset.done $0x0  }
0x7e: {  	p2 =	slt.f32 s23, s10;
	s4 =	simm.s32 @!p1 $0x0;
	[sflag:s13] =	ssyncadd.s32 $0xFFFFFFF4  }
0x7f: {  	p1 =	slt.f32 s25, s14;
	s4 =	ssub.s32 s28, s4;
	_ =	swait.ge [sflag:s15], $0x3  }
0x80: {  	s5 =	sadd.s32 $0xFFFFFFFF, s4;
	s9 =	simm.s32 @!p2 $0x0;
	[sflag:s15] =	ssyncset.done $0x0  }
0x81: {  	s4 =	sadd.s32 $0xB, s4;
	p2 =	slt.s32 s5, $0x0;
	[sflag:s15] =	ssyncadd.s32 $0xFFFFFFFD  }
0x82: {  	s3 =	simm.s32 @!p1 $0x0;
	s16 =	ssub.s32 s11, s9;
	s5 =	smov.u32 @p2 s4;
	v53 =	vld [tilespmem:$0x310]  }
0x83: {  	s3 =	ssub.s32 s12, s3;
	s17 =	sshrl.u32 s16, $0x1E;
	p1 =	sgt.s32 s5, $0x0;
	v54 =	vld [tilespmem:$0x320]  }
0x84: {  	s18 =	sshrl.u32 s3, $0x1D;
	s4 =	sand.u32 $0x2, s17;
	s5 =	simm.s32 @!p1 $0x0  }
0x85: {  	s19 =	sand.u32 $0x4, s18;
	s4 =	sadd.s32 s16, s4;
	s5 =	smin.u32 s5, $0xB;
	v55 =	vld [tilespmem:$0x300]  }
0x86: {  	s3 =	sadd.s32 s3, s19;
	p1 =	sgt.s32 s4, $0x0;
	s4 =	simm.s32 $0x9;
	v56 =	vmov s5  }
0x87: {  	s4 =	simm.s32 @!p1 $0x8;
	p1 =	sgt.s32 s3, $0x0;
	vm13 =	veq.s32 v56, v1  }
0x88: {  	s3 =	simm.s32 @!p1 $0x0;
	v57 =	vmov s4;
	(v2sf) =	vpush v54, $0x0;
	v2 =	vnsel vm13, $0x0, v53  }
0x89: {  	s3 =	smin.u32 s3, $0x3;
	vm14 =	veq.s32 v57, v1;
	(v2sf) =	vpush v0, $0x3;
	(xrf2) =	vadd.scan.msk.f32 $0xffff, v2  }
0x8a: {  	v59 =	vmov s3;
	v58 =	vnsel vm14, $0x0, v55;
	(v2sf) =	vpush v54, $0x1  }
0x8b: {  	vm15 =	veq.s32 v59, v1;
	(xrf2) =	vadd.scan.msk.f32 $0xffff, v58;
	(v2sf) =	vpush v0, $0x4  }
0x8c: {  	v1 =	vnsel vm15, $0x0, v55;
	(v2sf) =	vpush v54, $0x2  }
0x8d: {  	(xrf2) =	vadd.scan.msk.f32 $0xffff, v1;
	(v2sf) =	vpush v0, $0x5;
	_ =	sdelay $0x5  }
0x8e: {  	v60, _, _ =	vpop (xrf2)  }
0x8f: {  	(v2sf) =	vpush v60, $0xF  }
0x90: {  	v61, _, _ =	vpop (xrf2)  }
0x91: {  	(v2sf) =	vpush v61, $0xF  }
0x92: {  	v62, _, _ =	vpop (xrf2);
	s20 =	spop (v2sf)  }
0x93: {  	(v2sf) =	vpush v62, $0xF;
	s21 =	spop (v2sf)  }
0x94: {  	s22 =	spop (v2sf)  }
0x95: {  	s3 =	smul.f32 s20, s21;
	s23 =	spop (v2sf)  }
0x96: {  	s24 =	spop (v2sf);
	s5 =	smul.f32 s22, s23  }
0x97: {  	s3 =	smax.f32 s3, $0.0e+00;
	s25 =	spop (v2sf)  }
0x98: {  	s5 =	smax.f32 s5, $0.0e+00;
	s4 =	smul.f32 s24, s25  }
0x99: {  	s3 =	sadd.f32 s5, s3  }
0x9a: {  	s4 =	smax.f32 s4, $0.0e+00  }
0x9b: {  	s3 =	sadd.f32 s3, s4;
	_ =	sdelay $0x1  }
0x9c: {  	s3 =	sadd.f32 s3, s29  }
0x9d: {  	s26 =	spop (v2sf)  }
0x9e: {  	s3 =	smul.f32 s3, s26  }
0x9f: {  	s28 =	spop (v2sf)  }
0xa0: {  	s3 =	smul.f32 s3, s28  }
0xa1: {  	s29 =	spop (v2sf)  }
0xa2: {  	s3 =	smul.f32 s3, s29;
	_ =	sdelay $0x1  }
0xa3: {  	v63 =	vmov s3  }
0xa4: {  	s30 =	simm.s32 $0x330;
	s31 =	simm.s32 $0x7;
	[tilespmem:$0x330] =	vst v63  }
0xa5: {  	[hbm4b:s1+s2] =	stream.linear.scatter [tilespmem:s30], [sflag:$0x7], $0x1, $0x38;
	[tilespmem:$0x340] =	vst v63  }
0xa6: {  	_ =	swait.ge [sflag:s31], $0x1  }
0xa7: {  	[sflag:s31] =	ssyncset.done $0x0  }
0xa8: {  	[sflag:s31] =	ssyncadd.s32 $0xFFFFFFFF  }
.LBB2_2:
0xa9: {  	_ =	sfence.sel $0x180000  }
0xaa: {  	[bflag:$0x0] =	sbarrier.arrive $0xFFFF  }
0xab: {  	_ =	strace $0x90000047  }
0xac: {  	s0 =	sadd.s32 @!p0 $0x100000, s0;
	[bflag:$0x2] =	sbarrier.arrive $0xFFFF  }
0xad: {  	[sflag:s0] =	ssyncadd.tile.s32 @!p0 $0x1;
	_ =	shalt  }
.Lfunc_end2:
_tile_overlayer_lowered:
.L_overlay_start_2:
0xae: {  	(tag) =	ssettag $0x2  }
0xaf: {  	s0 =	rddreg [dreg:$0x0];
	s2 =	stileid.u32  }
0xb0: {  	s1 =	rddreg [dreg:$0x1];
	p0 =	sne.s32 s2, $0x0  }
0xb1: {  	s3 =	rddreg [dreg:$0x2];
	[bflag:$0x3] =	sbarrier.arrive $0xFFFF;
	s2 =	simm.s32 @!p0 $0x1C07  }
0xb2: {  	[timem:s3], [sflag:s2] =	dma.local @!p0 [hbm:s0], s1  }
0xb3: {  	s0 =	simm.s32 @!p0 $0x7  }
0xb4: {  	_ =	swait.ge @!p0 [sflag:s0], s1  }
0xb5: {  	s1 =	ssub.s32 @!p0 $0x0, s1;
	[sflag:s0] =	ssyncset.done @!p0 $0x0  }
0xb6: {  	[sflag:s0] =	ssyncadd.s32 @!p0 s1  }
0xb7: {  	[bflag:$0x3] =	sbarrier.arrive $0xFFFF  }
0xb8: {  	_ =	shalt  }

</sc_bundles>
